<compile_context>
chip_gen: v7x
topology: tpu7x:2x2x1
jax: 0.10.2.dev20260603
libtpu: 0.0.44.dev20260713+nightly
codegen_flags: <defaults>
</compile_context>

<pallas_src>
import functools

import jax
import jax.numpy as jnp
from jax import lax
from jax.experimental import pallas as pl
from jax.experimental.pallas import tpu as pltpu
from jax.experimental.pallas import tpu_sc as plsc

N = 4096
MAX_LEN = 200
D_ITEM = 128
POOL = 100000
D_CTX = 64

NUM_CORES = 2
NUM_SUBCORES = 16
NUM_WORKERS = NUM_CORES * NUM_SUBCORES
SEQ_PER_W = N // NUM_WORKERS
LANES = 16

CHUNKS = ((0, 64), (64, 64), (128, 40), (168, 32))
IDX_W = 256

MASK_W = SEQ_PER_W * MAX_LEN
CTX_W = SEQ_PER_W * D_CTX
MASK_PAD_CHUNKS = -(-MAX_LEN // LANES)


_GATHER_DNUMS = lax.GatherDimensionNumbers(
    offset_dims=(), collapsed_slice_dims=(0,), start_index_map=(0,))


def _splat(vec, lane):
    idx = jnp.full((LANES, 1), lane, jnp.int32)
    return lax.gather(vec, idx, _GATHER_DNUMS, slice_sizes=(1,),
                      mode=lax.GatherScatterMode.PROMISE_IN_BOUNDS)


def _sampler_mesh_kernel():
    mesh = plsc.VectorSubcoreMesh(core_axis_name="c", subcore_axis_name="s")

    @functools.partial(
        pl.kernel,
        mesh=mesh,
        out_type=(
            jax.ShapeDtypeStruct((N, MAX_LEN, D_ITEM), jnp.float32),
            jax.ShapeDtypeStruct((N * MAX_LEN,), jnp.float32),
            jax.ShapeDtypeStruct((N * D_CTX,), jnp.float32),
        ),
        scratch_types=[
            pltpu.VMEM((SEQ_PER_W, MAX_LEN), jnp.int32),
            pltpu.VMEM((SEQ_PER_W + LANES,), jnp.int32),
            pltpu.VMEM((MASK_W + LANES,), jnp.float32),
            pltpu.VMEM((CTX_W,), jnp.float32),
            pltpu.VMEM((MAX_LEN, D_ITEM), jnp.float32),
            pltpu.VMEM((MAX_LEN, D_ITEM), jnp.float32),
            pltpu.SemaphoreType.DMA,
            pltpu.SemaphoreType.DMA,
            pltpu.SemaphoreType.DMA,
            pltpu.SemaphoreType.DMA,
            pltpu.SemaphoreType.DMA,
        ],
    )
    def body(universe, idx_hbm, sizes_hbm, ctx_hbm,
             items_out, mask_out, ctx_out,
             idx_all, sizes_v, mask_all, ctx_v, rows0, rows1,
             gsem0, gsem1, wsem0, wsem1, msem):
        rows = (rows0, rows1)
        gsems = (gsem0, gsem1)
        wsems = (wsem0, wsem1)
        c = lax.axis_index("c")
        s = lax.axis_index("s")
        wid = s * NUM_CORES + c
        base = wid * SEQ_PER_W

        pltpu.sync_copy(idx_hbm.at[pl.ds(base, SEQ_PER_W)], idx_all)
        pltpu.sync_copy(sizes_hbm.at[pl.ds(base, SEQ_PER_W)],
                        sizes_v.at[pl.ds(0, SEQ_PER_W)])
        pltpu.sync_copy(ctx_hbm.at[pl.ds(base * D_CTX, CTX_W)], ctx_v)

        def size_of(b):
            return sizes_v[pl.ds(b, LANES)][0]

        def issue_gathers(b, buf, gsem):
            s_sc = size_of(b)
            for j, (start, length) in enumerate(CHUNKS):
                @pl.when(jnp.int32(start) < s_sc)
                def _issue(j=j, start=start, length=length):
                    pltpu.async_copy(
                        universe.at[idx_all.at[b, pl.ds(start, length)]],
                        buf.at[pl.ds(start, length)], gsem)

        def wait_gathers(b, buf, gsem):
            s_sc = size_of(b)
            for j, (start, length) in enumerate(CHUNKS):
                @pl.when(jnp.int32(start) < s_sc)
                def _drain(j=j, start=start, length=length):
                    pltpu.make_async_copy(
                        universe.at[idx_all.at[b, pl.ds(start, length)]],
                        buf.at[pl.ds(start, length)], gsem).wait()

        def issue_write(b, buf, wsem):
            pltpu.async_copy(buf, items_out.at[base + b], wsem)

        def wait_write(b, buf, wsem):
            pltpu.make_async_copy(buf, items_out.at[base + b], wsem).wait()

        issue_gathers(0, rows[0], gsems[0])
        issue_gathers(1, rows[1], gsems[1])

        def mask_body(b, carry):
            schunk = sizes_v[pl.ds(jnp.bitwise_and(b, -LANES), LANES)]
            svec = _splat(schunk, jnp.bitwise_and(b, LANES - 1))
            for k in range(MASK_PAD_CHUNKS):
                pos = lax.iota(jnp.int32, LANES) + (k * LANES)
                mask_all[pl.ds(b * MAX_LEN + k * LANES, LANES)] = jnp.where(
                    pos < svec, 1.0, 0.0)
            return carry

        lax.fori_loop(0, SEQ_PER_W, mask_body, 0)

        def ctx_body(t, carry):
            v = ctx_v[pl.ds(t * LANES, LANES)]
            ctx_v[pl.ds(t * LANES, LANES)] = jnp.minimum(
                jnp.maximum(v, -3.0), 3.0)
            return carry

        lax.fori_loop(0, CTX_W // LANES, ctx_body, 0)

        pltpu.async_copy(mask_all.at[pl.ds(0, MASK_W)],
                         mask_out.at[pl.ds(base * MAX_LEN, MASK_W)], msem)
        pltpu.async_copy(ctx_v, ctx_out.at[pl.ds(base * D_CTX, CTX_W)], msem)

        zeros16 = jnp.zeros((LANES,), jnp.float32)

        def straddle_end(s_sc):
            end = jnp.int32(CHUNKS[-1][0] + CHUNKS[-1][1])
            for start, length in reversed(CHUNKS[:-1]):
                end = jnp.where(s_sc <= start + length,
                                jnp.int32(start + length), end)
            return end

        def pair_body(t, carry):
            hwm = list(carry)
            for p in range(2):
                b = 2 * t + p
                q = 1 - p

                @pl.when(jnp.logical_and(b >= 1, b <= SEQ_PER_W - 2))
                def _next(b=b, q=q):
                    wait_write(b - 1, rows[q], wsems[q])
                    issue_gathers(b + 1, rows[q], gsems[q])

                wait_gathers(b, rows[p], gsems[p])

                s_sc = size_of(b)

                def zero_row(r, zcarry, p=p):
                    for k in range(D_ITEM // LANES):
                        rows[p][r, pl.ds(k * LANES, LANES)] = zeros16
                    return zcarry

                zend = jnp.maximum(straddle_end(s_sc), hwm[p])
                lax.fori_loop(s_sc, zend, zero_row, 0)
                issue_write(b, rows[p], wsems[p])
                hwm[p] = s_sc
            return tuple(hwm)

        lax.fori_loop(0, SEQ_PER_W // 2, pair_body,
                      (jnp.int32(MAX_LEN), jnp.int32(MAX_LEN)))

        wait_write(SEQ_PER_W - 2, rows[0], wsems[0])
        wait_write(SEQ_PER_W - 1, rows[1], wsems[1])
        pltpu.make_async_copy(
            mask_all.at[pl.ds(0, MASK_W)],
            mask_out.at[pl.ds(base * MAX_LEN, MASK_W)], msem).wait()
        pltpu.make_async_copy(
            ctx_v, ctx_out.at[pl.ds(base * D_CTX, CTX_W)], msem).wait()

    return body


_SAMPLER = _sampler_mesh_kernel()


def kernel(item_universe, context, chosen_idx, sizes):
    items, mask_flat, ctx_flat = _SAMPLER(
        item_universe, chosen_idx, sizes, context.reshape(-1))
    return (items, mask_flat.reshape(N, MAX_LEN),
            ctx_flat.reshape(N, D_CTX))

# --- scband reference (transcript-rebuilt; emitter-appended) ---
"""Pipeline reference for scband-synthetic-sampler-4552665334265 (READ-ONLY COPY).

The authoritative reference and input builder live on the scoring server;
editing this copy changes nothing except your own understanding.
"""

import jax, jax.numpy as jnp
import numpy as np

N = 4096
MAX_LEN = 200
MIN_LEN = 20
D_ITEM = 128
POOL = 100000
D_CTX = 64

def setup_inputs(seed: int = 0) -> dict:
    key = jax.random.key(seed)
    k1, k2, k3, k4 = jax.random.split(key, 4)
    # item_feat_corr = 0.0 -> MVN with identity covariance == standard normal
    item_universe = jax.random.normal(k1, (POOL, D_ITEM), dtype=jnp.float32)
    context = jax.random.normal(k2, (N, D_CTX), dtype=jnp.float32)
    chosen_idx = jax.random.randint(k3, (N, MAX_LEN), 0, POOL, dtype=jnp.int64 if jax.config.jax_enable_x64 else jnp.int32).astype(jnp.int32)
    sizes = jax.random.randint(k4, (N,), MIN_LEN, MAX_LEN + 1).astype(jnp.int32)
    return {"item_universe": item_universe, "context": context, "chosen_idx": chosen_idx, "sizes": sizes}

def reference(item_universe, context, chosen_idx, sizes):
    # context clamp, as in SyntheticSampler.sample
    ctx = jnp.clip(context, -3.0, 3.0)
    # assortment length mask: positions < sizes[i] get 1.0, else 0.0
    positions = jnp.arange(chosen_idx.shape[1])[None, :]
    mask = (positions < sizes[:, None]).astype(jnp.float32)
    # gather item features from universe: (N, MAX_LEN, D_ITEM)
    gathered = jnp.take(item_universe, chosen_idx, axis=0)
    # zero out padding positions (original writes only first k rows into zeros buffer)
    items = gathered * mask[:, :, None]
    return items, mask, ctx

if __name__ == "__main__":
    import jax
    _d = setup_inputs()
    print(jax.jit(kernel)(*tuple(_d.values())))

</pallas_src>

<mosaic_0001>
#map = affine_map<(d0, d1) -> (0, 0)>
#map1 = affine_map<(d0, d1) -> (0)>
#map2 = affine_map<(d0, d1) -> (0, 0, 0)>
module attributes {stable_mosaic.version = 14 : i64} {
  func.func @body(%arg0: i32, %arg1: i32, %arg2: memref<100000x128xf32, #tpu.memory_space<hbm>>, %arg3: memref<4096x200xi32, #tpu.memory_space<hbm>>, %arg4: memref<4096xi32, #tpu.memory_space<hbm>>, %arg5: memref<262144xf32, #tpu.memory_space<hbm>>, %arg6: memref<4096x200x128xf32, #tpu.memory_space<hbm>>, %arg7: memref<819200xf32, #tpu.memory_space<hbm>>, %arg8: memref<262144xf32, #tpu.memory_space<hbm>>, %arg9: memref<128x200xi32, #tpu.memory_space<vmem>>, %arg10: memref<144xi32, #tpu.memory_space<vmem>>, %arg11: memref<25616xf32, #tpu.memory_space<vmem>>, %arg12: memref<8192xf32, #tpu.memory_space<vmem>>, %arg13: memref<200x128xf32, #tpu.memory_space<vmem>>, %arg14: memref<200x128xf32, #tpu.memory_space<vmem>>, %arg15: memref<!tpu.dma_semaphore, #tpu.memory_space<semaphore_mem>>, %arg16: memref<!tpu.dma_semaphore, #tpu.memory_space<semaphore_mem>>, %arg17: memref<!tpu.dma_semaphore, #tpu.memory_space<semaphore_mem>>, %arg18: memref<!tpu.dma_semaphore, #tpu.memory_space<semaphore_mem>>, %arg19: memref<!tpu.dma_semaphore, #tpu.memory_space<semaphore_mem>>) attributes {dimension_semantics = [#tpu.dimension_semantics<core_parallel>, #tpu.dimension_semantics<subcore_parallel>], iteration_bounds = array<i64: 2, 16>, scalar_prefetch = 0 : i64, scratch_operands = 11 : i64, tpu.core_type = #tpu.core_type<sc_vector_subcore>, window_params = [{transform_indices = #map}, {transform_indices = #map}, {transform_indices = #map1}, {transform_indices = #map1}, {transform_indices = #map2}, {transform_indices = #map1}, {transform_indices = #map1}]} {
    %mul3A = arith.constant 2 : i32
    %mul3A_0 = arith.muli %arg1, %mul3A : i32
    %add3A = arith.addi %mul3A_0, %arg0 : i32
    %mul3A_1 = arith.constant 128 : i32
    %mul3A_2 = arith.muli %add3A, %mul3A_1 : i32
    "tpu.region"() ({
      %run_scoped3A = tpu.sem_alloc : memref<!tpu.dma_semaphore, #tpu.memory_space<semaphore_mem>>
      %dma_start3A_111 = arith.constant 0 : i32
      %dma_start3A_112 = tpu.memref_slice %arg3[%mul3A_2, %dma_start3A_111] : memref<4096x200xi32, #tpu.memory_space<hbm>> -> memref<128x200xi32, #tpu.memory_space<hbm>>
      %dma_start3A_113 = arith.constant 0 : i32
      %dma_start3A_114 = tpu.memref_slice %arg3[%mul3A_2, %dma_start3A_113] : memref<4096x200xi32, #tpu.memory_space<hbm>> -> memref<128x200xi32, #tpu.memory_space<hbm>>
      tpu.enqueue_dma source(%dma_start3A_114 : memref<128x200xi32, #tpu.memory_space<hbm>>) target(%arg9 : memref<128x200xi32, #tpu.memory_space<vmem>>) target_semaphore(%run_scoped3A : memref<!tpu.dma_semaphore, #tpu.memory_space<semaphore_mem>>)
      %dma_wait3A_115 = arith.constant 0 : i32
      %dma_wait3A_116 = tpu.memref_slice %arg3[%mul3A_2, %dma_wait3A_115] : memref<4096x200xi32, #tpu.memory_space<hbm>> -> memref<128x200xi32, #tpu.memory_space<hbm>>
      %dma_wait3A_117 = arith.constant 0 : i32
      %dma_wait3A_118 = tpu.memref_slice %arg3[%mul3A_2, %dma_wait3A_117] : memref<4096x200xi32, #tpu.memory_space<hbm>> -> memref<128x200xi32, #tpu.memory_space<hbm>>
      tpu.wait_dma2 semaphore(%run_scoped3A : memref<!tpu.dma_semaphore, #tpu.memory_space<semaphore_mem>>) src(%dma_wait3A_118 : memref<128x200xi32, #tpu.memory_space<hbm>>) dst(%arg9 : memref<128x200xi32, #tpu.memory_space<vmem>>)
      tpu.yield
    }) : () -> ()
    "tpu.region"() ({
      %run_scoped3A = tpu.sem_alloc : memref<!tpu.dma_semaphore, #tpu.memory_space<semaphore_mem>>
      %dma_start3A_111 = arith.constant 0 : i32
      %dma_start3A_112 = tpu.memref_slice %arg10[%dma_start3A_111] : memref<144xi32, #tpu.memory_space<vmem>> -> memref<128xi32, #tpu.memory_space<vmem>>
      %dma_start3A_113 = tpu.memref_slice %arg4[%mul3A_2] : memref<4096xi32, #tpu.memory_space<hbm>> -> memref<128xi32, #tpu.memory_space<hbm>>
      %dma_start3A_114 = arith.constant 0 : i32
      %dma_start3A_115 = tpu.memref_slice %arg10[%dma_start3A_114] : memref<144xi32, #tpu.memory_space<vmem>> -> memref<128xi32, #tpu.memory_space<vmem>>
      %dma_start3A_116 = tpu.memref_slice %arg4[%mul3A_2] : memref<4096xi32, #tpu.memory_space<hbm>> -> memref<128xi32, #tpu.memory_space<hbm>>
      tpu.enqueue_dma source(%dma_start3A_116 : memref<128xi32, #tpu.memory_space<hbm>>) target(%dma_start3A_115 : memref<128xi32, #tpu.memory_space<vmem>>) target_semaphore(%run_scoped3A : memref<!tpu.dma_semaphore, #tpu.memory_space<semaphore_mem>>)
      %dma_wait3A_117 = arith.constant 0 : i32
      %dma_wait3A_118 = tpu.memref_slice %arg10[%dma_wait3A_117] : memref<144xi32, #tpu.memory_space<vmem>> -> memref<128xi32, #tpu.memory_space<vmem>>
      %dma_wait3A_119 = tpu.memref_slice %arg4[%mul3A_2] : memref<4096xi32, #tpu.memory_space<hbm>> -> memref<128xi32, #tpu.memory_space<hbm>>
      %dma_wait3A_120 = arith.constant 0 : i32
      %dma_wait3A_121 = tpu.memref_slice %arg10[%dma_wait3A_120] : memref<144xi32, #tpu.memory_space<vmem>> -> memref<128xi32, #tpu.memory_space<vmem>>
      %dma_wait3A_122 = tpu.memref_slice %arg4[%mul3A_2] : memref<4096xi32, #tpu.memory_space<hbm>> -> memref<128xi32, #tpu.memory_space<hbm>>
      tpu.wait_dma2 semaphore(%run_scoped3A : memref<!tpu.dma_semaphore, #tpu.memory_space<semaphore_mem>>) src(%dma_wait3A_122 : memref<128xi32, #tpu.memory_space<hbm>>) dst(%dma_wait3A_121 : memref<128xi32, #tpu.memory_space<vmem>>)
      tpu.yield
    }) : () -> ()
    %mul3A_3 = arith.constant 64 : i32
    %mul3A_4 = arith.muli %mul3A_2, %mul3A_3 : i32
    "tpu.region"() ({
      %run_scoped3A = tpu.sem_alloc : memref<!tpu.dma_semaphore, #tpu.memory_space<semaphore_mem>>
      %dma_start3A_111 = tpu.memref_slice %arg5[%mul3A_4] : memref<262144xf32, #tpu.memory_space<hbm>> -> memref<8192xf32, #tpu.memory_space<hbm>>
      %dma_start3A_112 = tpu.memref_slice %arg5[%mul3A_4] : memref<262144xf32, #tpu.memory_space<hbm>> -> memref<8192xf32, #tpu.memory_space<hbm>>
      tpu.enqueue_dma source(%dma_start3A_112 : memref<8192xf32, #tpu.memory_space<hbm>>) target(%arg12 : memref<8192xf32, #tpu.memory_space<vmem>>) target_semaphore(%run_scoped3A : memref<!tpu.dma_semaphore, #tpu.memory_space<semaphore_mem>>)
      %dma_wait3A_113 = tpu.memref_slice %arg5[%mul3A_4] : memref<262144xf32, #tpu.memory_space<hbm>> -> memref<8192xf32, #tpu.memory_space<hbm>>
      %dma_wait3A_114 = tpu.memref_slice %arg5[%mul3A_4] : memref<262144xf32, #tpu.memory_space<hbm>> -> memref<8192xf32, #tpu.memory_space<hbm>>
      tpu.wait_dma2 semaphore(%run_scoped3A : memref<!tpu.dma_semaphore, #tpu.memory_space<semaphore_mem>>) src(%dma_wait3A_114 : memref<8192xf32, #tpu.memory_space<hbm>>) dst(%arg12 : memref<8192xf32, #tpu.memory_space<vmem>>)
      tpu.yield
    }) : () -> ()
    %get3A = arith.constant 0 : index
    %get3A_5 = tpu.vector_load %arg10[%get3A] {strides = array<i32>} : memref<144xi32, #tpu.memory_space<vmem>>, vector<16xi32>,
    %get3A_6 = vector.shape_cast %get3A_5 : vector<16xi32> to vector<16xi32>
    %slice3A = vector.extract_strided_slice %get3A_6 {offsets = [0], sizes = [1], strides = [1]} : vector<16xi32> to vector<1xi32>
    %squeeze3A = vector.extract %slice3A[0] : i32 from vector<1xi32>
    %lt3A = arith.constant 0 : i32
    %lt3A_7 = arith.cmpi slt, %lt3A, %squeeze3A : i32
    %convert_element_type3A = arith.extui %lt3A_7 : i1 to i32
    %cond3A = arith.constant 0 : i32
    %cond3A_8 = arith.cmpi ne, %convert_element_type3A, %cond3A : i32
    scf.if %cond3A_8 {
      %dma_start3A_111 = arith.constant 0 : i32
      %dma_start3A_112 = arith.constant 0 : i32
      %dma_start3A_113 = arith.constant 0 : i32
      %dma_start3A_114 = tpu.memref_slice %arg13[%dma_start3A_112, %dma_start3A_113] : memref<200x128xf32, #tpu.memory_space<vmem>> -> memref<64x128xf32, #tpu.memory_space<vmem>>
      %dma_start3A_115 = arith.constant 0 : i32
      %dma_start3A_116 = tpu.memref_slice %arg9[%dma_start3A_111, %dma_start3A_115] : memref<128x200xi32, #tpu.memory_space<vmem>> -> memref<1x64xi32, #tpu.memory_space<vmem>>
      %dma_start3A_117 = tpu.memref_squeeze %dma_start3A_116 : memref<1x64xi32, #tpu.memory_space<vmem>> -> memref<64xi32, #tpu.memory_space<vmem>>
      %dma_start3A_118 = arith.constant 0 : i32
      %dma_start3A_119 = arith.constant 0 : i32
      %dma_start3A_120 = tpu.memref_slice %arg2[%dma_start3A_118, %dma_start3A_119] : memref<100000x128xf32, #tpu.memory_space<hbm>> -> memref<100000x128xf32, #tpu.memory_space<hbm>>
      tpu.enqueue_indirect_dma source(%dma_start3A_120 : memref<100000x128xf32, #tpu.memory_space<hbm>>) target(%dma_start3A_114 : memref<64x128xf32, #tpu.memory_space<vmem>>) offsets(%dma_start3A_117 : memref<64xi32, #tpu.memory_space<vmem>>) semaphore(%arg15 : memref<!tpu.dma_semaphore, #tpu.memory_space<semaphore_mem>>)
    } else {
    }
    %lt3A_9 = arith.constant 64 : i32
    %lt3A_10 = arith.cmpi slt, %lt3A_9, %squeeze3A : i32
    %convert_element_type3A_11 = arith.extui %lt3A_10 : i1 to i32
    %cond3A_12 = arith.constant 0 : i32
    %cond3A_13 = arith.cmpi ne, %convert_element_type3A_11, %cond3A_12 : i32
    scf.if %cond3A_13 {
      %dma_start3A_111 = arith.constant 0 : i32
      %dma_start3A_112 = arith.constant 64 : i32
      %dma_start3A_113 = arith.constant 0 : i32
      %dma_start3A_114 = tpu.memref_slice %arg13[%dma_start3A_112, %dma_start3A_113] : memref<200x128xf32, #tpu.memory_space<vmem>> -> memref<64x128xf32, #tpu.memory_space<vmem>>
      %dma_start3A_115 = arith.constant 64 : i32
      %dma_start3A_116 = tpu.memref_slice %arg9[%dma_start3A_111, %dma_start3A_115] : memref<128x200xi32, #tpu.memory_space<vmem>> -> memref<1x64xi32, #tpu.memory_space<vmem>>
      %dma_start3A_117 = tpu.memref_squeeze %dma_start3A_116 : memref<1x64xi32, #tpu.memory_space<vmem>> -> memref<64xi32, #tpu.memory_space<vmem>>
      %dma_start3A_118 = arith.constant 0 : i32
      %dma_start3A_119 = arith.constant 0 : i32
      %dma_start3A_120 = tpu.memref_slice %arg2[%dma_start3A_118, %dma_start3A_119] : memref<100000x128xf32, #tpu.memory_space<hbm>> -> memref<100000x128xf32, #tpu.memory_space<hbm>>
      tpu.enqueue_indirect_dma source(%dma_start3A_120 : memref<100000x128xf32, #tpu.memory_space<hbm>>) target(%dma_start3A_114 : memref<64x128xf32, #tpu.memory_space<vmem>>) offsets(%dma_start3A_117 : memref<64xi32, #tpu.memory_space<vmem>>) semaphore(%arg15 : memref<!tpu.dma_semaphore, #tpu.memory_space<semaphore_mem>>)
    } else {
    }
    %lt3A_14 = arith.constant 128 : i32
    %lt3A_15 = arith.cmpi slt, %lt3A_14, %squeeze3A : i32
    %convert_element_type3A_16 = arith.extui %lt3A_15 : i1 to i32
    %cond3A_17 = arith.constant 0 : i32
    %cond3A_18 = arith.cmpi ne, %convert_element_type3A_16, %cond3A_17 : i32
    scf.if %cond3A_18 {
      %dma_start3A_111 = arith.constant 0 : i32
      %dma_start3A_112 = arith.constant 128 : i32
      %dma_start3A_113 = arith.constant 0 : i32
      %dma_start3A_114 = tpu.memref_slice %arg13[%dma_start3A_112, %dma_start3A_113] : memref<200x128xf32, #tpu.memory_space<vmem>> -> memref<40x128xf32, #tpu.memory_space<vmem>>
      %dma_start3A_115 = arith.constant 128 : i32
      %dma_start3A_116 = tpu.memref_slice %arg9[%dma_start3A_111, %dma_start3A_115] : memref<128x200xi32, #tpu.memory_space<vmem>> -> memref<1x40xi32, #tpu.memory_space<vmem>>
      %dma_start3A_117 = tpu.memref_squeeze %dma_start3A_116 : memref<1x40xi32, #tpu.memory_space<vmem>> -> memref<40xi32, #tpu.memory_space<vmem>>
      %dma_start3A_118 = arith.constant 0 : i32
      %dma_start3A_119 = arith.constant 0 : i32
      %dma_start3A_120 = tpu.memref_slice %arg2[%dma_start3A_118, %dma_start3A_119] : memref<100000x128xf32, #tpu.memory_space<hbm>> -> memref<100000x128xf32, #tpu.memory_space<hbm>>
      tpu.enqueue_indirect_dma source(%dma_start3A_120 : memref<100000x128xf32, #tpu.memory_space<hbm>>) target(%dma_start3A_114 : memref<40x128xf32, #tpu.memory_space<vmem>>) offsets(%dma_start3A_117 : memref<40xi32, #tpu.memory_space<vmem>>) semaphore(%arg15 : memref<!tpu.dma_semaphore, #tpu.memory_space<semaphore_mem>>)
    } else {
    }
    %lt3A_19 = arith.constant 168 : i32
    %lt3A_20 = arith.cmpi slt, %lt3A_19, %squeeze3A : i32
    %convert_element_type3A_21 = arith.extui %lt3A_20 : i1 to i32
    %cond3A_22 = arith.constant 0 : i32
    %cond3A_23 = arith.cmpi ne, %convert_element_type3A_21, %cond3A_22 : i32
    scf.if %cond3A_23 {
      %dma_start3A_111 = arith.constant 0 : i32
      %dma_start3A_112 = arith.constant 168 : i32
      %dma_start3A_113 = arith.constant 0 : i32
      %dma_start3A_114 = tpu.memref_slice %arg13[%dma_start3A_112, %dma_start3A_113] : memref<200x128xf32, #tpu.memory_space<vmem>> -> memref<32x128xf32, #tpu.memory_space<vmem>>
      %dma_start3A_115 = arith.constant 168 : i32
      %dma_start3A_116 = tpu.memref_slice %arg9[%dma_start3A_111, %dma_start3A_115] : memref<128x200xi32, #tpu.memory_space<vmem>> -> memref<1x32xi32, #tpu.memory_space<vmem>>
      %dma_start3A_117 = tpu.memref_squeeze %dma_start3A_116 : memref<1x32xi32, #tpu.memory_space<vmem>> -> memref<32xi32, #tpu.memory_space<vmem>>
      %dma_start3A_118 = arith.constant 0 : i32
      %dma_start3A_119 = arith.constant 0 : i32
      %dma_start3A_120 = tpu.memref_slice %arg2[%dma_start3A_118, %dma_start3A_119] : memref<100000x128xf32, #tpu.memory_space<hbm>> -> memref<100000x128xf32, #tpu.memory_space<hbm>>
      tpu.enqueue_indirect_dma source(%dma_start3A_120 : memref<100000x128xf32, #tpu.memory_space<hbm>>) target(%dma_start3A_114 : memref<32x128xf32, #tpu.memory_space<vmem>>) offsets(%dma_start3A_117 : memref<32xi32, #tpu.memory_space<vmem>>) semaphore(%arg15 : memref<!tpu.dma_semaphore, #tpu.memory_space<semaphore_mem>>)
    } else {
    }
    %get3A_24 = arith.constant 1 : index
    %get3A_25 = tpu.vector_load %arg10[%get3A_24] {strides = array<i32>} : memref<144xi32, #tpu.memory_space<vmem>>, vector<16xi32>,
    %get3A_26 = vector.shape_cast %get3A_25 : vector<16xi32> to vector<16xi32>
    %slice3A_27 = vector.extract_strided_slice %get3A_26 {offsets = [0], sizes = [1], strides = [1]} : vector<16xi32> to vector<1xi32>
    %squeeze3A_28 = vector.extract %slice3A_27[0] : i32 from vector<1xi32>
    %lt3A_29 = arith.constant 0 : i32
    %lt3A_30 = arith.cmpi slt, %lt3A_29, %squeeze3A_28 : i32
    %convert_element_type3A_31 = arith.extui %lt3A_30 : i1 to i32
    %cond3A_32 = arith.constant 0 : i32
    %cond3A_33 = arith.cmpi ne, %convert_element_type3A_31, %cond3A_32 : i32
    scf.if %cond3A_33 {
      %dma_start3A_111 = arith.constant 1 : i32
      %dma_start3A_112 = arith.constant 0 : i32
      %dma_start3A_113 = arith.constant 0 : i32
      %dma_start3A_114 = tpu.memref_slice %arg14[%dma_start3A_112, %dma_start3A_113] : memref<200x128xf32, #tpu.memory_space<vmem>> -> memref<64x128xf32, #tpu.memory_space<vmem>>
      %dma_start3A_115 = arith.constant 0 : i32
      %dma_start3A_116 = tpu.memref_slice %arg9[%dma_start3A_111, %dma_start3A_115] : memref<128x200xi32, #tpu.memory_space<vmem>> -> memref<1x64xi32, #tpu.memory_space<vmem>>
      %dma_start3A_117 = tpu.memref_squeeze %dma_start3A_116 : memref<1x64xi32, #tpu.memory_space<vmem>> -> memref<64xi32, #tpu.memory_space<vmem>>
      %dma_start3A_118 = arith.constant 0 : i32
      %dma_start3A_119 = arith.constant 0 : i32
      %dma_start3A_120 = tpu.memref_slice %arg2[%dma_start3A_118, %dma_start3A_119] : memref<100000x128xf32, #tpu.memory_space<hbm>> -> memref<100000x128xf32, #tpu.memory_space<hbm>>
      tpu.enqueue_indirect_dma source(%dma_start3A_120 : memref<100000x128xf32, #tpu.memory_space<hbm>>) target(%dma_start3A_114 : memref<64x128xf32, #tpu.memory_space<vmem>>) offsets(%dma_start3A_117 : memref<64xi32, #tpu.memory_space<vmem>>) semaphore(%arg16 : memref<!tpu.dma_semaphore, #tpu.memory_space<semaphore_mem>>)
    } else {
    }
    %lt3A_34 = arith.constant 64 : i32
    %lt3A_35 = arith.cmpi slt, %lt3A_34, %squeeze3A_28 : i32
    %convert_element_type3A_36 = arith.extui %lt3A_35 : i1 to i32
    %cond3A_37 = arith.constant 0 : i32
    %cond3A_38 = arith.cmpi ne, %convert_element_type3A_36, %cond3A_37 : i32
    scf.if %cond3A_38 {
      %dma_start3A_111 = arith.constant 1 : i32
      %dma_start3A_112 = arith.constant 64 : i32
      %dma_start3A_113 = arith.constant 0 : i32
      %dma_start3A_114 = tpu.memref_slice %arg14[%dma_start3A_112, %dma_start3A_113] : memref<200x128xf32, #tpu.memory_space<vmem>> -> memref<64x128xf32, #tpu.memory_space<vmem>>
      %dma_start3A_115 = arith.constant 64 : i32
      %dma_start3A_116 = tpu.memref_slice %arg9[%dma_start3A_111, %dma_start3A_115] : memref<128x200xi32, #tpu.memory_space<vmem>> -> memref<1x64xi32, #tpu.memory_space<vmem>>
      %dma_start3A_117 = tpu.memref_squeeze %dma_start3A_116 : memref<1x64xi32, #tpu.memory_space<vmem>> -> memref<64xi32, #tpu.memory_space<vmem>>
      %dma_start3A_118 = arith.constant 0 : i32
      %dma_start3A_119 = arith.constant 0 : i32
      %dma_start3A_120 = tpu.memref_slice %arg2[%dma_start3A_118, %dma_start3A_119] : memref<100000x128xf32, #tpu.memory_space<hbm>> -> memref<100000x128xf32, #tpu.memory_space<hbm>>
      tpu.enqueue_indirect_dma source(%dma_start3A_120 : memref<100000x128xf32, #tpu.memory_space<hbm>>) target(%dma_start3A_114 : memref<64x128xf32, #tpu.memory_space<vmem>>) offsets(%dma_start3A_117 : memref<64xi32, #tpu.memory_space<vmem>>) semaphore(%arg16 : memref<!tpu.dma_semaphore, #tpu.memory_space<semaphore_mem>>)
    } else {
    }
    %lt3A_39 = arith.constant 128 : i32
    %lt3A_40 = arith.cmpi slt, %lt3A_39, %squeeze3A_28 : i32
    %convert_element_type3A_41 = arith.extui %lt3A_40 : i1 to i32
    %cond3A_42 = arith.constant 0 : i32
    %cond3A_43 = arith.cmpi ne, %convert_element_type3A_41, %cond3A_42 : i32
    scf.if %cond3A_43 {
      %dma_start3A_111 = arith.constant 1 : i32
      %dma_start3A_112 = arith.constant 128 : i32
      %dma_start3A_113 = arith.constant 0 : i32
      %dma_start3A_114 = tpu.memref_slice %arg14[%dma_start3A_112, %dma_start3A_113] : memref<200x128xf32, #tpu.memory_space<vmem>> -> memref<40x128xf32, #tpu.memory_space<vmem>>
      %dma_start3A_115 = arith.constant 128 : i32
      %dma_start3A_116 = tpu.memref_slice %arg9[%dma_start3A_111, %dma_start3A_115] : memref<128x200xi32, #tpu.memory_space<vmem>> -> memref<1x40xi32, #tpu.memory_space<vmem>>
      %dma_start3A_117 = tpu.memref_squeeze %dma_start3A_116 : memref<1x40xi32, #tpu.memory_space<vmem>> -> memref<40xi32, #tpu.memory_space<vmem>>
      %dma_start3A_118 = arith.constant 0 : i32
      %dma_start3A_119 = arith.constant 0 : i32
      %dma_start3A_120 = tpu.memref_slice %arg2[%dma_start3A_118, %dma_start3A_119] : memref<100000x128xf32, #tpu.memory_space<hbm>> -> memref<100000x128xf32, #tpu.memory_space<hbm>>
      tpu.enqueue_indirect_dma source(%dma_start3A_120 : memref<100000x128xf32, #tpu.memory_space<hbm>>) target(%dma_start3A_114 : memref<40x128xf32, #tpu.memory_space<vmem>>) offsets(%dma_start3A_117 : memref<40xi32, #tpu.memory_space<vmem>>) semaphore(%arg16 : memref<!tpu.dma_semaphore, #tpu.memory_space<semaphore_mem>>)
    } else {
    }
    %lt3A_44 = arith.constant 168 : i32
    %lt3A_45 = arith.cmpi slt, %lt3A_44, %squeeze3A_28 : i32
    %convert_element_type3A_46 = arith.extui %lt3A_45 : i1 to i32
    %cond3A_47 = arith.constant 0 : i32
    %cond3A_48 = arith.cmpi ne, %convert_element_type3A_46, %cond3A_47 : i32
    scf.if %cond3A_48 {
      %dma_start3A_111 = arith.constant 1 : i32
      %dma_start3A_112 = arith.constant 168 : i32
      %dma_start3A_113 = arith.constant 0 : i32
      %dma_start3A_114 = tpu.memref_slice %arg14[%dma_start3A_112, %dma_start3A_113] : memref<200x128xf32, #tpu.memory_space<vmem>> -> memref<32x128xf32, #tpu.memory_space<vmem>>
      %dma_start3A_115 = arith.constant 168 : i32
      %dma_start3A_116 = tpu.memref_slice %arg9[%dma_start3A_111, %dma_start3A_115] : memref<128x200xi32, #tpu.memory_space<vmem>> -> memref<1x32xi32, #tpu.memory_space<vmem>>
      %dma_start3A_117 = tpu.memref_squeeze %dma_start3A_116 : memref<1x32xi32, #tpu.memory_space<vmem>> -> memref<32xi32, #tpu.memory_space<vmem>>
      %dma_start3A_118 = arith.constant 0 : i32
      %dma_start3A_119 = arith.constant 0 : i32
      %dma_start3A_120 = tpu.memref_slice %arg2[%dma_start3A_118, %dma_start3A_119] : memref<100000x128xf32, #tpu.memory_space<hbm>> -> memref<100000x128xf32, #tpu.memory_space<hbm>>
      tpu.enqueue_indirect_dma source(%dma_start3A_120 : memref<100000x128xf32, #tpu.memory_space<hbm>>) target(%dma_start3A_114 : memref<32x128xf32, #tpu.memory_space<vmem>>) offsets(%dma_start3A_117 : memref<32xi32, #tpu.memory_space<vmem>>) semaphore(%arg16 : memref<!tpu.dma_semaphore, #tpu.memory_space<semaphore_mem>>)
    } else {
    }
    %scan3A = arith.constant 0 : i32
    %scan3A_49 = arith.constant 0 : i32
    %scan3A_50 = arith.constant 128 : i32
    %scan3A_51 = arith.addi %scan3A_49, %scan3A_50 : i32
    %scan3A_52 = arith.constant 1 : i32
    scf.for %scan3A_111 = %scan3A_49 to %scan3A_51 step %scan3A_52  : i32 {
      %and3A = arith.constant -16 : i32
      %and3A_112 = arith.andi %scan3A_111, %and3A : i32
      %get3A_113 = arith.index_cast %and3A_112 : i32 to index
      %get3A_114 = tpu.vector_load %arg10[%get3A_113] {strides = array<i32>} : memref<144xi32, #tpu.memory_space<vmem>>, vector<16xi32>,
      %get3A_115 = vector.shape_cast %get3A_114 : vector<16xi32> to vector<16xi32>
      %and3A_116 = arith.constant 15 : i32
      %and3A_117 = arith.andi %scan3A_111, %and3A_116 : i32
      %broadcast_in_dim3A_118 = vector.broadcast %and3A_117 : i32 to vector<16x1xi32>
      %gather3A = vector.shape_cast %broadcast_in_dim3A_118 : vector<16x1xi32> to vector<16xi32>
      %gather3A_119 = tpu.dynamic_gather %get3A_115[%gather3A] in [0] : vector<16xi32>, vector<16xi32> -> vector<16xi32>
      %iota3A = tpu.iota {dimensions = array<i32: 0>} : vector<16xi32>
      %add3A_120 = arith.constant 0 : i32
      %add3A_121 = vector.broadcast %add3A_120 : i32 to vector<16xi32>
      %add3A_122 = arith.addi %iota3A, %add3A_121 : vector<16xi32>
      %lt3A_123 = arith.cmpi slt, %add3A_122, %gather3A_119 : vector<16xi32>
      %jit3A = arith.constant 1.000000e+00 : f32
      %jit3A_124 = arith.constant 0.000000e+00 : f32
      %broadcast_in_dim3A_125 = vector.broadcast %jit3A : f32 to vector<16xf32>
      %broadcast_in_dim3A_126 = vector.broadcast %jit3A_124 : f32 to vector<16xf32>
      %select_n3A = arith.select %lt3A_123, %broadcast_in_dim3A_125, %broadcast_in_dim3A_126 : vector<16xi1>, vector<16xf32>
      %mul3A_127 = arith.constant 200 : i32
      %mul3A_128 = arith.muli %scan3A_111, %mul3A_127 : i32
      %add3A_129 = arith.constant 0 : i32
      %add3A_130 = arith.addi %mul3A_128, %add3A_129 : i32
      %swap3A = arith.index_cast %add3A_130 : i32 to index
      %swap3A_131 = tpu.vector_load %arg11[%swap3A] {strides = array<i32>} : memref<25616xf32, #tpu.memory_space<vmem>>, vector<16xf32>,
      %swap3A_132 = vector.shape_cast %swap3A_131 : vector<16xf32> to vector<16xf32>
      %swap3A_133 = vector.shape_cast %select_n3A : vector<16xf32> to vector<16xf32>
      tpu.vector_store %arg11[%swap3A], %swap3A_133 {strides = array<i32>} : memref<25616xf32, #tpu.memory_space<vmem>>, vector<16xf32>,
      %iota3A_134 = tpu.iota {dimensions = array<i32: 0>} : vector<16xi32>
      %add3A_135 = arith.constant 16 : i32
      %add3A_136 = vector.broadcast %add3A_135 : i32 to vector<16xi32>
      %add3A_137 = arith.addi %iota3A_134, %add3A_136 : vector<16xi32>
      %lt3A_138 = arith.cmpi slt, %add3A_137, %gather3A_119 : vector<16xi32>
      %jit3A_139 = arith.constant 1.000000e+00 : f32
      %jit3A_140 = arith.constant 0.000000e+00 : f32
      %broadcast_in_dim3A_141 = vector.broadcast %jit3A_139 : f32 to vector<16xf32>
      %broadcast_in_dim3A_142 = vector.broadcast %jit3A_140 : f32 to vector<16xf32>
      %select_n3A_143 = arith.select %lt3A_138, %broadcast_in_dim3A_141, %broadcast_in_dim3A_142 : vector<16xi1>, vector<16xf32>
      %mul3A_144 = arith.constant 200 : i32
      %mul3A_145 = arith.muli %scan3A_111, %mul3A_144 : i32
      %add3A_146 = arith.constant 16 : i32
      %add3A_147 = arith.addi %mul3A_145, %add3A_146 : i32
      %swap3A_148 = arith.index_cast %add3A_147 : i32 to index
      %swap3A_149 = tpu.vector_load %arg11[%swap3A_148] {strides = array<i32>} : memref<25616xf32, #tpu.memory_space<vmem>>, vector<16xf32>,
      %swap3A_150 = vector.shape_cast %swap3A_149 : vector<16xf32> to vector<16xf32>
      %swap3A_151 = vector.shape_cast %select_n3A_143 : vector<16xf32> to vector<16xf32>
      tpu.vector_store %arg11[%swap3A_148], %swap3A_151 {strides = array<i32>} : memref<25616xf32, #tpu.memory_space<vmem>>, vector<16xf32>,
      %iota3A_152 = tpu.iota {dimensions = array<i32: 0>} : vector<16xi32>
      %add3A_153 = arith.constant 32 : i32
      %add3A_154 = vector.broadcast %add3A_153 : i32 to vector<16xi32>
      %add3A_155 = arith.addi %iota3A_152, %add3A_154 : vector<16xi32>
      %lt3A_156 = arith.cmpi slt, %add3A_155, %gather3A_119 : vector<16xi32>
      %jit3A_157 = arith.constant 1.000000e+00 : f32
      %jit3A_158 = arith.constant 0.000000e+00 : f32
      %broadcast_in_dim3A_159 = vector.broadcast %jit3A_157 : f32 to vector<16xf32>
      %broadcast_in_dim3A_160 = vector.broadcast %jit3A_158 : f32 to vector<16xf32>
      %select_n3A_161 = arith.select %lt3A_156, %broadcast_in_dim3A_159, %broadcast_in_dim3A_160 : vector<16xi1>, vector<16xf32>
      %mul3A_162 = arith.constant 200 : i32
      %mul3A_163 = arith.muli %scan3A_111, %mul3A_162 : i32
      %add3A_164 = arith.constant 32 : i32
      %add3A_165 = arith.addi %mul3A_163, %add3A_164 : i32
      %swap3A_166 = arith.index_cast %add3A_165 : i32 to index
      %swap3A_167 = tpu.vector_load %arg11[%swap3A_166] {strides = array<i32>} : memref<25616xf32, #tpu.memory_space<vmem>>, vector<16xf32>,
      %swap3A_168 = vector.shape_cast %swap3A_167 : vector<16xf32> to vector<16xf32>
      %swap3A_169 = vector.shape_cast %select_n3A_161 : vector<16xf32> to vector<16xf32>
      tpu.vector_store %arg11[%swap3A_166], %swap3A_169 {strides = array<i32>} : memref<25616xf32, #tpu.memory_space<vmem>>, vector<16xf32>,
      %iota3A_170 = tpu.iota {dimensions = array<i32: 0>} : vector<16xi32>
      %add3A_171 = arith.constant 48 : i32
      %add3A_172 = vector.broadcast %add3A_171 : i32 to vector<16xi32>
      %add3A_173 = arith.addi %iota3A_170, %add3A_172 : vector<16xi32>
      %lt3A_174 = arith.cmpi slt, %add3A_173, %gather3A_119 : vector<16xi32>
      %jit3A_175 = arith.constant 1.000000e+00 : f32
      %jit3A_176 = arith.constant 0.000000e+00 : f32
      %broadcast_in_dim3A_177 = vector.broadcast %jit3A_175 : f32 to vector<16xf32>
      %broadcast_in_dim3A_178 = vector.broadcast %jit3A_176 : f32 to vector<16xf32>
      %select_n3A_179 = arith.select %lt3A_174, %broadcast_in_dim3A_177, %broadcast_in_dim3A_178 : vector<16xi1>, vector<16xf32>
      %mul3A_180 = arith.constant 200 : i32
      %mul3A_181 = arith.muli %scan3A_111, %mul3A_180 : i32
      %add3A_182 = arith.constant 48 : i32
      %add3A_183 = arith.addi %mul3A_181, %add3A_182 : i32
      %swap3A_184 = arith.index_cast %add3A_183 : i32 to index
      %swap3A_185 = tpu.vector_load %arg11[%swap3A_184] {strides = array<i32>} : memref<25616xf32, #tpu.memory_space<vmem>>, vector<16xf32>,
      %swap3A_186 = vector.shape_cast %swap3A_185 : vector<16xf32> to vector<16xf32>
      %swap3A_187 = vector.shape_cast %select_n3A_179 : vector<16xf32> to vector<16xf32>
      tpu.vector_store %arg11[%swap3A_184], %swap3A_187 {strides = array<i32>} : memref<25616xf32, #tpu.memory_space<vmem>>, vector<16xf32>,
      %iota3A_188 = tpu.iota {dimensions = array<i32: 0>} : vector<16xi32>
      %add3A_189 = arith.constant 64 : i32
      %add3A_190 = vector.broadcast %add3A_189 : i32 to vector<16xi32>
      %add3A_191 = arith.addi %iota3A_188, %add3A_190 : vector<16xi32>
      %lt3A_192 = arith.cmpi slt, %add3A_191, %gather3A_119 : vector<16xi32>
      %jit3A_193 = arith.constant 1.000000e+00 : f32
      %jit3A_194 = arith.constant 0.000000e+00 : f32
      %broadcast_in_dim3A_195 = vector.broadcast %jit3A_193 : f32 to vector<16xf32>
      %broadcast_in_dim3A_196 = vector.broadcast %jit3A_194 : f32 to vector<16xf32>
      %select_n3A_197 = arith.select %lt3A_192, %broadcast_in_dim3A_195, %broadcast_in_dim3A_196 : vector<16xi1>, vector<16xf32>
      %mul3A_198 = arith.constant 200 : i32
      %mul3A_199 = arith.muli %scan3A_111, %mul3A_198 : i32
      %add3A_200 = arith.constant 64 : i32
      %add3A_201 = arith.addi %mul3A_199, %add3A_200 : i32
      %swap3A_202 = arith.index_cast %add3A_201 : i32 to index
      %swap3A_203 = tpu.vector_load %arg11[%swap3A_202] {strides = array<i32>} : memref<25616xf32, #tpu.memory_space<vmem>>, vector<16xf32>,
      %swap3A_204 = vector.shape_cast %swap3A_203 : vector<16xf32> to vector<16xf32>
      %swap3A_205 = vector.shape_cast %select_n3A_197 : vector<16xf32> to vector<16xf32>
      tpu.vector_store %arg11[%swap3A_202], %swap3A_205 {strides = array<i32>} : memref<25616xf32, #tpu.memory_space<vmem>>, vector<16xf32>,
      %iota3A_206 = tpu.iota {dimensions = array<i32: 0>} : vector<16xi32>
      %add3A_207 = arith.constant 80 : i32
      %add3A_208 = vector.broadcast %add3A_207 : i32 to vector<16xi32>
      %add3A_209 = arith.addi %iota3A_206, %add3A_208 : vector<16xi32>
      %lt3A_210 = arith.cmpi slt, %add3A_209, %gather3A_119 : vector<16xi32>
      %jit3A_211 = arith.constant 1.000000e+00 : f32
      %jit3A_212 = arith.constant 0.000000e+00 : f32
      %broadcast_in_dim3A_213 = vector.broadcast %jit3A_211 : f32 to vector<16xf32>
      %broadcast_in_dim3A_214 = vector.broadcast %jit3A_212 : f32 to vector<16xf32>
      %select_n3A_215 = arith.select %lt3A_210, %broadcast_in_dim3A_213, %broadcast_in_dim3A_214 : vector<16xi1>, vector<16xf32>
      %mul3A_216 = arith.constant 200 : i32
      %mul3A_217 = arith.muli %scan3A_111, %mul3A_216 : i32
      %add3A_218 = arith.constant 80 : i32
      %add3A_219 = arith.addi %mul3A_217, %add3A_218 : i32
      %swap3A_220 = arith.index_cast %add3A_219 : i32 to index
      %swap3A_221 = tpu.vector_load %arg11[%swap3A_220] {strides = array<i32>} : memref<25616xf32, #tpu.memory_space<vmem>>, vector<16xf32>,
      %swap3A_222 = vector.shape_cast %swap3A_221 : vector<16xf32> to vector<16xf32>
      %swap3A_223 = vector.shape_cast %select_n3A_215 : vector<16xf32> to vector<16xf32>
      tpu.vector_store %arg11[%swap3A_220], %swap3A_223 {strides = array<i32>} : memref<25616xf32, #tpu.memory_space<vmem>>, vector<16xf32>,
      %iota3A_224 = tpu.iota {dimensions = array<i32: 0>} : vector<16xi32>
      %add3A_225 = arith.constant 96 : i32
      %add3A_226 = vector.broadcast %add3A_225 : i32 to vector<16xi32>
      %add3A_227 = arith.addi %iota3A_224, %add3A_226 : vector<16xi32>
      %lt3A_228 = arith.cmpi slt, %add3A_227, %gather3A_119 : vector<16xi32>
      %jit3A_229 = arith.constant 1.000000e+00 : f32
      %jit3A_230 = arith.constant 0.000000e+00 : f32
      %broadcast_in_dim3A_231 = vector.broadcast %jit3A_229 : f32 to vector<16xf32>
      %broadcast_in_dim3A_232 = vector.broadcast %jit3A_230 : f32 to vector<16xf32>
      %select_n3A_233 = arith.select %lt3A_228, %broadcast_in_dim3A_231, %broadcast_in_dim3A_232 : vector<16xi1>, vector<16xf32>
      %mul3A_234 = arith.constant 200 : i32
      %mul3A_235 = arith.muli %scan3A_111, %mul3A_234 : i32
      %add3A_236 = arith.constant 96 : i32
      %add3A_237 = arith.addi %mul3A_235, %add3A_236 : i32
      %swap3A_238 = arith.index_cast %add3A_237 : i32 to index
      %swap3A_239 = tpu.vector_load %arg11[%swap3A_238] {strides = array<i32>} : memref<25616xf32, #tpu.memory_space<vmem>>, vector<16xf32>,
      %swap3A_240 = vector.shape_cast %swap3A_239 : vector<16xf32> to vector<16xf32>
      %swap3A_241 = vector.shape_cast %select_n3A_233 : vector<16xf32> to vector<16xf32>
      tpu.vector_store %arg11[%swap3A_238], %swap3A_241 {strides = array<i32>} : memref<25616xf32, #tpu.memory_space<vmem>>, vector<16xf32>,
      %iota3A_242 = tpu.iota {dimensions = array<i32: 0>} : vector<16xi32>
      %add3A_243 = arith.constant 112 : i32
      %add3A_244 = vector.broadcast %add3A_243 : i32 to vector<16xi32>
      %add3A_245 = arith.addi %iota3A_242, %add3A_244 : vector<16xi32>
      %lt3A_246 = arith.cmpi slt, %add3A_245, %gather3A_119 : vector<16xi32>
      %jit3A_247 = arith.constant 1.000000e+00 : f32
      %jit3A_248 = arith.constant 0.000000e+00 : f32
      %broadcast_in_dim3A_249 = vector.broadcast %jit3A_247 : f32 to vector<16xf32>
      %broadcast_in_dim3A_250 = vector.broadcast %jit3A_248 : f32 to vector<16xf32>
      %select_n3A_251 = arith.select %lt3A_246, %broadcast_in_dim3A_249, %broadcast_in_dim3A_250 : vector<16xi1>, vector<16xf32>
      %mul3A_252 = arith.constant 200 : i32
      %mul3A_253 = arith.muli %scan3A_111, %mul3A_252 : i32
      %add3A_254 = arith.constant 112 : i32
      %add3A_255 = arith.addi %mul3A_253, %add3A_254 : i32
      %swap3A_256 = arith.index_cast %add3A_255 : i32 to index
      %swap3A_257 = tpu.vector_load %arg11[%swap3A_256] {strides = array<i32>} : memref<25616xf32, #tpu.memory_space<vmem>>, vector<16xf32>,
      %swap3A_258 = vector.shape_cast %swap3A_257 : vector<16xf32> to vector<16xf32>
      %swap3A_259 = vector.shape_cast %select_n3A_251 : vector<16xf32> to vector<16xf32>
      tpu.vector_store %arg11[%swap3A_256], %swap3A_259 {strides = array<i32>} : memref<25616xf32, #tpu.memory_space<vmem>>, vector<16xf32>,
      %iota3A_260 = tpu.iota {dimensions = array<i32: 0>} : vector<16xi32>
      %add3A_261 = arith.constant 128 : i32
      %add3A_262 = vector.broadcast %add3A_261 : i32 to vector<16xi32>
      %add3A_263 = arith.addi %iota3A_260, %add3A_262 : vector<16xi32>
      %lt3A_264 = arith.cmpi slt, %add3A_263, %gather3A_119 : vector<16xi32>
      %jit3A_265 = arith.constant 1.000000e+00 : f32
      %jit3A_266 = arith.constant 0.000000e+00 : f32
      %broadcast_in_dim3A_267 = vector.broadcast %jit3A_265 : f32 to vector<16xf32>
      %broadcast_in_dim3A_268 = vector.broadcast %jit3A_266 : f32 to vector<16xf32>
      %select_n3A_269 = arith.select %lt3A_264, %broadcast_in_dim3A_267, %broadcast_in_dim3A_268 : vector<16xi1>, vector<16xf32>
      %mul3A_270 = arith.constant 200 : i32
      %mul3A_271 = arith.muli %scan3A_111, %mul3A_270 : i32
      %add3A_272 = arith.constant 128 : i32
      %add3A_273 = arith.addi %mul3A_271, %add3A_272 : i32
      %swap3A_274 = arith.index_cast %add3A_273 : i32 to index
      %swap3A_275 = tpu.vector_load %arg11[%swap3A_274] {strides = array<i32>} : memref<25616xf32, #tpu.memory_space<vmem>>, vector<16xf32>,
      %swap3A_276 = vector.shape_cast %swap3A_275 : vector<16xf32> to vector<16xf32>
      %swap3A_277 = vector.shape_cast %select_n3A_269 : vector<16xf32> to vector<16xf32>
      tpu.vector_store %arg11[%swap3A_274], %swap3A_277 {strides = array<i32>} : memref<25616xf32, #tpu.memory_space<vmem>>, vector<16xf32>,
      %iota3A_278 = tpu.iota {dimensions = array<i32: 0>} : vector<16xi32>
      %add3A_279 = arith.constant 144 : i32
      %add3A_280 = vector.broadcast %add3A_279 : i32 to vector<16xi32>
      %add3A_281 = arith.addi %iota3A_278, %add3A_280 : vector<16xi32>
      %lt3A_282 = arith.cmpi slt, %add3A_281, %gather3A_119 : vector<16xi32>
      %jit3A_283 = arith.constant 1.000000e+00 : f32
      %jit3A_284 = arith.constant 0.000000e+00 : f32
      %broadcast_in_dim3A_285 = vector.broadcast %jit3A_283 : f32 to vector<16xf32>
      %broadcast_in_dim3A_286 = vector.broadcast %jit3A_284 : f32 to vector<16xf32>
      %select_n3A_287 = arith.select %lt3A_282, %broadcast_in_dim3A_285, %broadcast_in_dim3A_286 : vector<16xi1>, vector<16xf32>
      %mul3A_288 = arith.constant 200 : i32
      %mul3A_289 = arith.muli %scan3A_111, %mul3A_288 : i32
      %add3A_290 = arith.constant 144 : i32
      %add3A_291 = arith.addi %mul3A_289, %add3A_290 : i32
      %swap3A_292 = arith.index_cast %add3A_291 : i32 to index
      %swap3A_293 = tpu.vector_load %arg11[%swap3A_292] {strides = array<i32>} : memref<25616xf32, #tpu.memory_space<vmem>>, vector<16xf32>,
      %swap3A_294 = vector.shape_cast %swap3A_293 : vector<16xf32> to vector<16xf32>
      %swap3A_295 = vector.shape_cast %select_n3A_287 : vector<16xf32> to vector<16xf32>
      tpu.vector_store %arg11[%swap3A_292], %swap3A_295 {strides = array<i32>} : memref<25616xf32, #tpu.memory_space<vmem>>, vector<16xf32>,
      %iota3A_296 = tpu.iota {dimensions = array<i32: 0>} : vector<16xi32>
      %add3A_297 = arith.constant 160 : i32
      %add3A_298 = vector.broadcast %add3A_297 : i32 to vector<16xi32>
      %add3A_299 = arith.addi %iota3A_296, %add3A_298 : vector<16xi32>
      %lt3A_300 = arith.cmpi slt, %add3A_299, %gather3A_119 : vector<16xi32>
      %jit3A_301 = arith.constant 1.000000e+00 : f32
      %jit3A_302 = arith.constant 0.000000e+00 : f32
      %broadcast_in_dim3A_303 = vector.broadcast %jit3A_301 : f32 to vector<16xf32>
      %broadcast_in_dim3A_304 = vector.broadcast %jit3A_302 : f32 to vector<16xf32>
      %select_n3A_305 = arith.select %lt3A_300, %broadcast_in_dim3A_303, %broadcast_in_dim3A_304 : vector<16xi1>, vector<16xf32>
      %mul3A_306 = arith.constant 200 : i32
      %mul3A_307 = arith.muli %scan3A_111, %mul3A_306 : i32
      %add3A_308 = arith.constant 160 : i32
      %add3A_309 = arith.addi %mul3A_307, %add3A_308 : i32
      %swap3A_310 = arith.index_cast %add3A_309 : i32 to index
      %swap3A_311 = tpu.vector_load %arg11[%swap3A_310] {strides = array<i32>} : memref<25616xf32, #tpu.memory_space<vmem>>, vector<16xf32>,
      %swap3A_312 = vector.shape_cast %swap3A_311 : vector<16xf32> to vector<16xf32>
      %swap3A_313 = vector.shape_cast %select_n3A_305 : vector<16xf32> to vector<16xf32>
      tpu.vector_store %arg11[%swap3A_310], %swap3A_313 {strides = array<i32>} : memref<25616xf32, #tpu.memory_space<vmem>>, vector<16xf32>,
      %iota3A_314 = tpu.iota {dimensions = array<i32: 0>} : vector<16xi32>
      %add3A_315 = arith.constant 176 : i32
      %add3A_316 = vector.broadcast %add3A_315 : i32 to vector<16xi32>
      %add3A_317 = arith.addi %iota3A_314, %add3A_316 : vector<16xi32>
      %lt3A_318 = arith.cmpi slt, %add3A_317, %gather3A_119 : vector<16xi32>
      %jit3A_319 = arith.constant 1.000000e+00 : f32
      %jit3A_320 = arith.constant 0.000000e+00 : f32
      %broadcast_in_dim3A_321 = vector.broadcast %jit3A_319 : f32 to vector<16xf32>
      %broadcast_in_dim3A_322 = vector.broadcast %jit3A_320 : f32 to vector<16xf32>
      %select_n3A_323 = arith.select %lt3A_318, %broadcast_in_dim3A_321, %broadcast_in_dim3A_322 : vector<16xi1>, vector<16xf32>
      %mul3A_324 = arith.constant 200 : i32
      %mul3A_325 = arith.muli %scan3A_111, %mul3A_324 : i32
      %add3A_326 = arith.constant 176 : i32
      %add3A_327 = arith.addi %mul3A_325, %add3A_326 : i32
      %swap3A_328 = arith.index_cast %add3A_327 : i32 to index
      %swap3A_329 = tpu.vector_load %arg11[%swap3A_328] {strides = array<i32>} : memref<25616xf32, #tpu.memory_space<vmem>>, vector<16xf32>,
      %swap3A_330 = vector.shape_cast %swap3A_329 : vector<16xf32> to vector<16xf32>
      %swap3A_331 = vector.shape_cast %select_n3A_323 : vector<16xf32> to vector<16xf32>
      tpu.vector_store %arg11[%swap3A_328], %swap3A_331 {strides = array<i32>} : memref<25616xf32, #tpu.memory_space<vmem>>, vector<16xf32>,
      %iota3A_332 = tpu.iota {dimensions = array<i32: 0>} : vector<16xi32>
      %add3A_333 = arith.constant 192 : i32
      %add3A_334 = vector.broadcast %add3A_333 : i32 to vector<16xi32>
      %add3A_335 = arith.addi %iota3A_332, %add3A_334 : vector<16xi32>
      %lt3A_336 = arith.cmpi slt, %add3A_335, %gather3A_119 : vector<16xi32>
      %jit3A_337 = arith.constant 1.000000e+00 : f32
      %jit3A_338 = arith.constant 0.000000e+00 : f32
      %broadcast_in_dim3A_339 = vector.broadcast %jit3A_337 : f32 to vector<16xf32>
      %broadcast_in_dim3A_340 = vector.broadcast %jit3A_338 : f32 to vector<16xf32>
      %select_n3A_341 = arith.select %lt3A_336, %broadcast_in_dim3A_339, %broadcast_in_dim3A_340 : vector<16xi1>, vector<16xf32>
      %mul3A_342 = arith.constant 200 : i32
      %mul3A_343 = arith.muli %scan3A_111, %mul3A_342 : i32
      %add3A_344 = arith.constant 192 : i32
      %add3A_345 = arith.addi %mul3A_343, %add3A_344 : i32
      %swap3A_346 = arith.index_cast %add3A_345 : i32 to index
      %swap3A_347 = tpu.vector_load %arg11[%swap3A_346] {strides = array<i32>} : memref<25616xf32, #tpu.memory_space<vmem>>, vector<16xf32>,
      %swap3A_348 = vector.shape_cast %swap3A_347 : vector<16xf32> to vector<16xf32>
      %swap3A_349 = vector.shape_cast %select_n3A_341 : vector<16xf32> to vector<16xf32>
      tpu.vector_store %arg11[%swap3A_346], %swap3A_349 {strides = array<i32>} : memref<25616xf32, #tpu.memory_space<vmem>>, vector<16xf32>,
    }
    %scan3A_53 = arith.constant 128 : i32
    %scan3A_54 = arith.constant 0 : i32
    %scan3A_55 = arith.constant 0 : i32
    %scan3A_56 = arith.constant 512 : i32
    %scan3A_57 = arith.addi %scan3A_55, %scan3A_56 : i32
    %scan3A_58 = arith.constant 1 : i32
    scf.for %scan3A_111 = %scan3A_55 to %scan3A_57 step %scan3A_58  : i32 {
      %mul3A_112 = arith.constant 16 : i32
      %mul3A_113 = arith.muli %scan3A_111, %mul3A_112 : i32
      %get3A_114 = arith.index_cast %mul3A_113 : i32 to index
      %get3A_115 = tpu.vector_load %arg12[%get3A_114] {strides = array<i32>} : memref<8192xf32, #tpu.memory_space<vmem>>, vector<16xf32>,
      %get3A_116 = vector.shape_cast %get3A_115 : vector<16xf32> to vector<16xf32>
      %max3A = arith.constant -3.000000e+00 : f32
      %max3A_117 = vector.broadcast %max3A : f32 to vector<16xf32>
      %max3A_118 = arith.maximumf %get3A_116, %max3A_117 : vector<16xf32>
      %min3A = arith.constant 3.000000e+00 : f32
      %min3A_119 = vector.broadcast %min3A : f32 to vector<16xf32>
      %min3A_120 = arith.minimumf %max3A_118, %min3A_119 : vector<16xf32>
      %mul3A_121 = arith.constant 16 : i32
      %mul3A_122 = arith.muli %scan3A_111, %mul3A_121 : i32
      %swap3A = arith.index_cast %mul3A_122 : i32 to index
      %swap3A_123 = tpu.vector_load %arg12[%swap3A] {strides = array<i32>} : memref<8192xf32, #tpu.memory_space<vmem>>, vector<16xf32>,
      %swap3A_124 = vector.shape_cast %swap3A_123 : vector<16xf32> to vector<16xf32>
      %swap3A_125 = vector.shape_cast %min3A_120 : vector<16xf32> to vector<16xf32>
      tpu.vector_store %arg12[%swap3A], %swap3A_125 {strides = array<i32>} : memref<8192xf32, #tpu.memory_space<vmem>>, vector<16xf32>,
    }
    %scan3A_59 = arith.constant 512 : i32
    %mul3A_60 = arith.constant 200 : i32
    %mul3A_61 = arith.muli %mul3A_2, %mul3A_60 : i32
    %dma_start3A = arith.constant 0 : i32
    %dma_start3A_62 = tpu.memref_slice %arg11[%dma_start3A] : memref<25616xf32, #tpu.memory_space<vmem>> -> memref<25600xf32, #tpu.memory_space<vmem>>
    %dma_start3A_63 = tpu.memref_slice %arg7[%mul3A_61] : memref<819200xf32, #tpu.memory_space<hbm>> -> memref<25600xf32, #tpu.memory_space<hbm>>
    %dma_start3A_64 = tpu.memref_slice %arg7[%mul3A_61] : memref<819200xf32, #tpu.memory_space<hbm>> -> memref<25600xf32, #tpu.memory_space<hbm>>
    %dma_start3A_65 = arith.constant 0 : i32
    %dma_start3A_66 = tpu.memref_slice %arg11[%dma_start3A_65] : memref<25616xf32, #tpu.memory_space<vmem>> -> memref<25600xf32, #tpu.memory_space<vmem>>
    tpu.enqueue_dma source(%dma_start3A_66 : memref<25600xf32, #tpu.memory_space<vmem>>) target(%dma_start3A_64 : memref<25600xf32, #tpu.memory_space<hbm>>) target_semaphore(%arg19 : memref<!tpu.dma_semaphore, #tpu.memory_space<semaphore_mem>>)
    %mul3A_67 = arith.constant 64 : i32
    %mul3A_68 = arith.muli %mul3A_2, %mul3A_67 : i32
    %dma_start3A_69 = tpu.memref_slice %arg8[%mul3A_68] : memref<262144xf32, #tpu.memory_space<hbm>> -> memref<8192xf32, #tpu.memory_space<hbm>>
    %dma_start3A_70 = tpu.memref_slice %arg8[%mul3A_68] : memref<262144xf32, #tpu.memory_space<hbm>> -> memref<8192xf32, #tpu.memory_space<hbm>>
    tpu.enqueue_dma source(%arg12 : memref<8192xf32, #tpu.memory_space<vmem>>) target(%dma_start3A_70 : memref<8192xf32, #tpu.memory_space<hbm>>) target_semaphore(%arg19 : memref<!tpu.dma_semaphore, #tpu.memory_space<semaphore_mem>>)
    %broadcast_in_dim3A = arith.constant 0.000000e+00 : f32
    %broadcast_in_dim3A_71 = vector.broadcast %broadcast_in_dim3A : f32 to vector<16xf32>
    %scan3A_72 = arith.constant 200 : i32
    %scan3A_73 = arith.constant 200 : i32
    %scan3A_74 = arith.constant 0 : i32
    %scan3A_75 = arith.constant 64 : i32
    %scan3A_76 = arith.addi %scan3A_74, %scan3A_75 : i32
    %scan3A_77 = arith.constant 1 : i32
    %scan3A_78:2 = scf.for %scan3A_111 = %scan3A_74 to %scan3A_76 step %scan3A_77 iter_args(%scan3A_112 = %scan3A_72, %scan3A_113 = %scan3A_73) -> (i32, i32)  : i32 {
      %mul3A_114 = arith.constant 2 : i32
      %mul3A_115 = arith.muli %mul3A_114, %scan3A_111 : i32
      %add3A_116 = arith.constant 0 : i32
      %add3A_117 = arith.addi %mul3A_115, %add3A_116 : i32
      %ge3A = arith.constant 1 : i32
      %ge3A_118 = arith.cmpi sge, %add3A_117, %ge3A : i32
      %le3A = arith.constant 126 : i32
      %le3A_119 = arith.cmpi sle, %add3A_117, %le3A : i32
      %and3A = arith.andi %ge3A_118, %le3A_119 : i1
      %convert_element_type3A_120 = arith.extui %and3A : i1 to i32
      %cond3A_121 = arith.constant 0 : i32
      %cond3A_122 = arith.cmpi ne, %convert_element_type3A_120, %cond3A_121 : i32
      scf.if %cond3A_122 {
        %sub3A = arith.constant 1 : i32
        %sub3A_255 = arith.subi %add3A_117, %sub3A : i32
        %add3A_256 = arith.addi %mul3A_2, %sub3A_255 : i32
        %dma_wait3A_257 = arith.constant 0 : i32
        %dma_wait3A_258 = arith.constant 0 : i32
        %dma_wait3A_259 = tpu.memref_slice %arg6[%add3A_256, %dma_wait3A_257, %dma_wait3A_258] : memref<4096x200x128xf32, #tpu.memory_space<hbm>> -> memref<1x200x128xf32, #tpu.memory_space<hbm>>
        %dma_wait3A_260 = tpu.memref_squeeze %dma_wait3A_259 : memref<1x200x128xf32, #tpu.memory_space<hbm>> -> memref<200x128xf32, #tpu.memory_space<hbm>>
        %dma_wait3A_261 = arith.constant 0 : i32
        %dma_wait3A_262 = arith.constant 0 : i32
        %dma_wait3A_263 = tpu.memref_slice %arg6[%add3A_256, %dma_wait3A_261, %dma_wait3A_262] : memref<4096x200x128xf32, #tpu.memory_space<hbm>> -> memref<1x200x128xf32, #tpu.memory_space<hbm>>
        %dma_wait3A_264 = tpu.memref_squeeze %dma_wait3A_263 : memref<1x200x128xf32, #tpu.memory_space<hbm>> -> memref<200x128xf32, #tpu.memory_space<hbm>>
        tpu.wait_dma2 semaphore(%arg18 : memref<!tpu.dma_semaphore, #tpu.memory_space<semaphore_mem>>) src(%arg14 : memref<200x128xf32, #tpu.memory_space<vmem>>) dst(%dma_wait3A_264 : memref<200x128xf32, #tpu.memory_space<hbm>>)
        %add3A_265 = arith.constant 1 : i32
        %add3A_266 = arith.addi %add3A_117, %add3A_265 : i32
        %get3A_267 = arith.index_cast %add3A_266 : i32 to index
        %get3A_268 = tpu.vector_load %arg10[%get3A_267] {strides = array<i32>} : memref<144xi32, #tpu.memory_space<vmem>>, vector<16xi32>,
        %get3A_269 = vector.shape_cast %get3A_268 : vector<16xi32> to vector<16xi32>
        %slice3A_270 = vector.extract_strided_slice %get3A_269 {offsets = [0], sizes = [1], strides = [1]} : vector<16xi32> to vector<1xi32>
        %squeeze3A_271 = vector.extract %slice3A_270[0] : i32 from vector<1xi32>
        %lt3A_272 = arith.constant 0 : i32
        %lt3A_273 = arith.cmpi slt, %lt3A_272, %squeeze3A_271 : i32
        %convert_element_type3A_274 = arith.extui %lt3A_273 : i1 to i32
        %cond3A_275 = arith.constant 0 : i32
        %cond3A_276 = arith.cmpi ne, %convert_element_type3A_274, %cond3A_275 : i32
        scf.if %cond3A_276 {
          %dma_start3A_292 = arith.constant 0 : i32
          %dma_start3A_293 = arith.constant 0 : i32
          %dma_start3A_294 = tpu.memref_slice %arg14[%dma_start3A_292, %dma_start3A_293] : memref<200x128xf32, #tpu.memory_space<vmem>> -> memref<64x128xf32, #tpu.memory_space<vmem>>
          %dma_start3A_295 = arith.constant 0 : i32
          %dma_start3A_296 = tpu.memref_slice %arg9[%add3A_266, %dma_start3A_295] : memref<128x200xi32, #tpu.memory_space<vmem>> -> memref<1x64xi32, #tpu.memory_space<vmem>>
          %dma_start3A_297 = tpu.memref_squeeze %dma_start3A_296 : memref<1x64xi32, #tpu.memory_space<vmem>> -> memref<64xi32, #tpu.memory_space<vmem>>
          %dma_start3A_298 = arith.constant 0 : i32
          %dma_start3A_299 = arith.constant 0 : i32
          %dma_start3A_300 = tpu.memref_slice %arg2[%dma_start3A_298, %dma_start3A_299] : memref<100000x128xf32, #tpu.memory_space<hbm>> -> memref<100000x128xf32, #tpu.memory_space<hbm>>
          tpu.enqueue_indirect_dma source(%dma_start3A_300 : memref<100000x128xf32, #tpu.memory_space<hbm>>) target(%dma_start3A_294 : memref<64x128xf32, #tpu.memory_space<vmem>>) offsets(%dma_start3A_297 : memref<64xi32, #tpu.memory_space<vmem>>) semaphore(%arg16 : memref<!tpu.dma_semaphore, #tpu.memory_space<semaphore_mem>>)
        } else {
        }
        %lt3A_277 = arith.constant 64 : i32
        %lt3A_278 = arith.cmpi slt, %lt3A_277, %squeeze3A_271 : i32
        %convert_element_type3A_279 = arith.extui %lt3A_278 : i1 to i32
        %cond3A_280 = arith.constant 0 : i32
        %cond3A_281 = arith.cmpi ne, %convert_element_type3A_279, %cond3A_280 : i32
        scf.if %cond3A_281 {
          %dma_start3A_292 = arith.constant 64 : i32
          %dma_start3A_293 = arith.constant 0 : i32
          %dma_start3A_294 = tpu.memref_slice %arg14[%dma_start3A_292, %dma_start3A_293] : memref<200x128xf32, #tpu.memory_space<vmem>> -> memref<64x128xf32, #tpu.memory_space<vmem>>
          %dma_start3A_295 = arith.constant 64 : i32
          %dma_start3A_296 = tpu.memref_slice %arg9[%add3A_266, %dma_start3A_295] : memref<128x200xi32, #tpu.memory_space<vmem>> -> memref<1x64xi32, #tpu.memory_space<vmem>>
          %dma_start3A_297 = tpu.memref_squeeze %dma_start3A_296 : memref<1x64xi32, #tpu.memory_space<vmem>> -> memref<64xi32, #tpu.memory_space<vmem>>
          %dma_start3A_298 = arith.constant 0 : i32
          %dma_start3A_299 = arith.constant 0 : i32
          %dma_start3A_300 = tpu.memref_slice %arg2[%dma_start3A_298, %dma_start3A_299] : memref<100000x128xf32, #tpu.memory_space<hbm>> -> memref<100000x128xf32, #tpu.memory_space<hbm>>
          tpu.enqueue_indirect_dma source(%dma_start3A_300 : memref<100000x128xf32, #tpu.memory_space<hbm>>) target(%dma_start3A_294 : memref<64x128xf32, #tpu.memory_space<vmem>>) offsets(%dma_start3A_297 : memref<64xi32, #tpu.memory_space<vmem>>) semaphore(%arg16 : memref<!tpu.dma_semaphore, #tpu.memory_space<semaphore_mem>>)
        } else {
        }
        %lt3A_282 = arith.constant 128 : i32
        %lt3A_283 = arith.cmpi slt, %lt3A_282, %squeeze3A_271 : i32
        %convert_element_type3A_284 = arith.extui %lt3A_283 : i1 to i32
        %cond3A_285 = arith.constant 0 : i32
        %cond3A_286 = arith.cmpi ne, %convert_element_type3A_284, %cond3A_285 : i32
        scf.if %cond3A_286 {
          %dma_start3A_292 = arith.constant 128 : i32
          %dma_start3A_293 = arith.constant 0 : i32
          %dma_start3A_294 = tpu.memref_slice %arg14[%dma_start3A_292, %dma_start3A_293] : memref<200x128xf32, #tpu.memory_space<vmem>> -> memref<40x128xf32, #tpu.memory_space<vmem>>
          %dma_start3A_295 = arith.constant 128 : i32
          %dma_start3A_296 = tpu.memref_slice %arg9[%add3A_266, %dma_start3A_295] : memref<128x200xi32, #tpu.memory_space<vmem>> -> memref<1x40xi32, #tpu.memory_space<vmem>>
          %dma_start3A_297 = tpu.memref_squeeze %dma_start3A_296 : memref<1x40xi32, #tpu.memory_space<vmem>> -> memref<40xi32, #tpu.memory_space<vmem>>
          %dma_start3A_298 = arith.constant 0 : i32
          %dma_start3A_299 = arith.constant 0 : i32
          %dma_start3A_300 = tpu.memref_slice %arg2[%dma_start3A_298, %dma_start3A_299] : memref<100000x128xf32, #tpu.memory_space<hbm>> -> memref<100000x128xf32, #tpu.memory_space<hbm>>
          tpu.enqueue_indirect_dma source(%dma_start3A_300 : memref<100000x128xf32, #tpu.memory_space<hbm>>) target(%dma_start3A_294 : memref<40x128xf32, #tpu.memory_space<vmem>>) offsets(%dma_start3A_297 : memref<40xi32, #tpu.memory_space<vmem>>) semaphore(%arg16 : memref<!tpu.dma_semaphore, #tpu.memory_space<semaphore_mem>>)
        } else {
        }
        %lt3A_287 = arith.constant 168 : i32
        %lt3A_288 = arith.cmpi slt, %lt3A_287, %squeeze3A_271 : i32
        %convert_element_type3A_289 = arith.extui %lt3A_288 : i1 to i32
        %cond3A_290 = arith.constant 0 : i32
        %cond3A_291 = arith.cmpi ne, %convert_element_type3A_289, %cond3A_290 : i32
        scf.if %cond3A_291 {
          %dma_start3A_292 = arith.constant 168 : i32
          %dma_start3A_293 = arith.constant 0 : i32
          %dma_start3A_294 = tpu.memref_slice %arg14[%dma_start3A_292, %dma_start3A_293] : memref<200x128xf32, #tpu.memory_space<vmem>> -> memref<32x128xf32, #tpu.memory_space<vmem>>
          %dma_start3A_295 = arith.constant 168 : i32
          %dma_start3A_296 = tpu.memref_slice %arg9[%add3A_266, %dma_start3A_295] : memref<128x200xi32, #tpu.memory_space<vmem>> -> memref<1x32xi32, #tpu.memory_space<vmem>>
          %dma_start3A_297 = tpu.memref_squeeze %dma_start3A_296 : memref<1x32xi32, #tpu.memory_space<vmem>> -> memref<32xi32, #tpu.memory_space<vmem>>
          %dma_start3A_298 = arith.constant 0 : i32
          %dma_start3A_299 = arith.constant 0 : i32
          %dma_start3A_300 = tpu.memref_slice %arg2[%dma_start3A_298, %dma_start3A_299] : memref<100000x128xf32, #tpu.memory_space<hbm>> -> memref<100000x128xf32, #tpu.memory_space<hbm>>
          tpu.enqueue_indirect_dma source(%dma_start3A_300 : memref<100000x128xf32, #tpu.memory_space<hbm>>) target(%dma_start3A_294 : memref<32x128xf32, #tpu.memory_space<vmem>>) offsets(%dma_start3A_297 : memref<32xi32, #tpu.memory_space<vmem>>) semaphore(%arg16 : memref<!tpu.dma_semaphore, #tpu.memory_space<semaphore_mem>>)
        } else {
        }
      } else {
      }
      %get3A_123 = arith.index_cast %add3A_117 : i32 to index
      %get3A_124 = tpu.vector_load %arg10[%get3A_123] {strides = array<i32>} : memref<144xi32, #tpu.memory_space<vmem>>, vector<16xi32>,
      %get3A_125 = vector.shape_cast %get3A_124 : vector<16xi32> to vector<16xi32>
      %slice3A_126 = vector.extract_strided_slice %get3A_125 {offsets = [0], sizes = [1], strides = [1]} : vector<16xi32> to vector<1xi32>
      %squeeze3A_127 = vector.extract %slice3A_126[0] : i32 from vector<1xi32>
      %lt3A_128 = arith.constant 0 : i32
      %lt3A_129 = arith.cmpi slt, %lt3A_128, %squeeze3A_127 : i32
      %convert_element_type3A_130 = arith.extui %lt3A_129 : i1 to i32
      %cond3A_131 = arith.constant 0 : i32
      %cond3A_132 = arith.cmpi ne, %convert_element_type3A_130, %cond3A_131 : i32
      scf.if %cond3A_132 {
        %dma_wait3A_255 = arith.constant 0 : i32
        %dma_wait3A_256 = arith.constant 0 : i32
        %dma_wait3A_257 = tpu.memref_slice %arg13[%dma_wait3A_255, %dma_wait3A_256] : memref<200x128xf32, #tpu.memory_space<vmem>> -> memref<64x128xf32, #tpu.memory_space<vmem>>
        %dma_wait3A_258 = arith.constant 0 : i32
        %dma_wait3A_259 = tpu.memref_slice %arg9[%add3A_117, %dma_wait3A_258] : memref<128x200xi32, #tpu.memory_space<vmem>> -> memref<1x64xi32, #tpu.memory_space<vmem>>
        %dma_wait3A_260 = tpu.memref_squeeze %dma_wait3A_259 : memref<1x64xi32, #tpu.memory_space<vmem>> -> memref<64xi32, #tpu.memory_space<vmem>>
        %dma_wait3A_261 = arith.constant 0 : i32
        %dma_wait3A_262 = arith.constant 0 : i32
        %dma_wait3A_263 = tpu.memref_slice %arg2[%dma_wait3A_261, %dma_wait3A_262] : memref<100000x128xf32, #tpu.memory_space<hbm>> -> memref<100000x128xf32, #tpu.memory_space<hbm>>
        tpu.wait_indirect_dma semaphore(%arg15 : memref<!tpu.dma_semaphore, #tpu.memory_space<semaphore_mem>>) src(%dma_wait3A_263 : memref<100000x128xf32, #tpu.memory_space<hbm>>) dst(%dma_wait3A_257 : memref<64x128xf32, #tpu.memory_space<vmem>>)
      } else {
      }
      %lt3A_133 = arith.constant 64 : i32
      %lt3A_134 = arith.cmpi slt, %lt3A_133, %squeeze3A_127 : i32
      %convert_element_type3A_135 = arith.extui %lt3A_134 : i1 to i32
      %cond3A_136 = arith.constant 0 : i32
      %cond3A_137 = arith.cmpi ne, %convert_element_type3A_135, %cond3A_136 : i32
      scf.if %cond3A_137 {
        %dma_wait3A_255 = arith.constant 64 : i32
        %dma_wait3A_256 = arith.constant 0 : i32
        %dma_wait3A_257 = tpu.memref_slice %arg13[%dma_wait3A_255, %dma_wait3A_256] : memref<200x128xf32, #tpu.memory_space<vmem>> -> memref<64x128xf32, #tpu.memory_space<vmem>>
        %dma_wait3A_258 = arith.constant 64 : i32
        %dma_wait3A_259 = tpu.memref_slice %arg9[%add3A_117, %dma_wait3A_258] : memref<128x200xi32, #tpu.memory_space<vmem>> -> memref<1x64xi32, #tpu.memory_space<vmem>>
        %dma_wait3A_260 = tpu.memref_squeeze %dma_wait3A_259 : memref<1x64xi32, #tpu.memory_space<vmem>> -> memref<64xi32, #tpu.memory_space<vmem>>
        %dma_wait3A_261 = arith.constant 0 : i32
        %dma_wait3A_262 = arith.constant 0 : i32
        %dma_wait3A_263 = tpu.memref_slice %arg2[%dma_wait3A_261, %dma_wait3A_262] : memref<100000x128xf32, #tpu.memory_space<hbm>> -> memref<100000x128xf32, #tpu.memory_space<hbm>>
        tpu.wait_indirect_dma semaphore(%arg15 : memref<!tpu.dma_semaphore, #tpu.memory_space<semaphore_mem>>) src(%dma_wait3A_263 : memref<100000x128xf32, #tpu.memory_space<hbm>>) dst(%dma_wait3A_257 : memref<64x128xf32, #tpu.memory_space<vmem>>)
      } else {
      }
      %lt3A_138 = arith.constant 128 : i32
      %lt3A_139 = arith.cmpi slt, %lt3A_138, %squeeze3A_127 : i32
      %convert_element_type3A_140 = arith.extui %lt3A_139 : i1 to i32
      %cond3A_141 = arith.constant 0 : i32
      %cond3A_142 = arith.cmpi ne, %convert_element_type3A_140, %cond3A_141 : i32
      scf.if %cond3A_142 {
        %dma_wait3A_255 = arith.constant 128 : i32
        %dma_wait3A_256 = arith.constant 0 : i32
        %dma_wait3A_257 = tpu.memref_slice %arg13[%dma_wait3A_255, %dma_wait3A_256] : memref<200x128xf32, #tpu.memory_space<vmem>> -> memref<40x128xf32, #tpu.memory_space<vmem>>
        %dma_wait3A_258 = arith.constant 128 : i32
        %dma_wait3A_259 = tpu.memref_slice %arg9[%add3A_117, %dma_wait3A_258] : memref<128x200xi32, #tpu.memory_space<vmem>> -> memref<1x40xi32, #tpu.memory_space<vmem>>
        %dma_wait3A_260 = tpu.memref_squeeze %dma_wait3A_259 : memref<1x40xi32, #tpu.memory_space<vmem>> -> memref<40xi32, #tpu.memory_space<vmem>>
        %dma_wait3A_261 = arith.constant 0 : i32
        %dma_wait3A_262 = arith.constant 0 : i32
        %dma_wait3A_263 = tpu.memref_slice %arg2[%dma_wait3A_261, %dma_wait3A_262] : memref<100000x128xf32, #tpu.memory_space<hbm>> -> memref<100000x128xf32, #tpu.memory_space<hbm>>
        tpu.wait_indirect_dma semaphore(%arg15 : memref<!tpu.dma_semaphore, #tpu.memory_space<semaphore_mem>>) src(%dma_wait3A_263 : memref<100000x128xf32, #tpu.memory_space<hbm>>) dst(%dma_wait3A_257 : memref<40x128xf32, #tpu.memory_space<vmem>>)
      } else {
      }
      %lt3A_143 = arith.constant 168 : i32
      %lt3A_144 = arith.cmpi slt, %lt3A_143, %squeeze3A_127 : i32
      %convert_element_type3A_145 = arith.extui %lt3A_144 : i1 to i32
      %cond3A_146 = arith.constant 0 : i32
      %cond3A_147 = arith.cmpi ne, %convert_element_type3A_145, %cond3A_146 : i32
      scf.if %cond3A_147 {
        %dma_wait3A_255 = arith.constant 168 : i32
        %dma_wait3A_256 = arith.constant 0 : i32
        %dma_wait3A_257 = tpu.memref_slice %arg13[%dma_wait3A_255, %dma_wait3A_256] : memref<200x128xf32, #tpu.memory_space<vmem>> -> memref<32x128xf32, #tpu.memory_space<vmem>>
        %dma_wait3A_258 = arith.constant 168 : i32
        %dma_wait3A_259 = tpu.memref_slice %arg9[%add3A_117, %dma_wait3A_258] : memref<128x200xi32, #tpu.memory_space<vmem>> -> memref<1x32xi32, #tpu.memory_space<vmem>>
        %dma_wait3A_260 = tpu.memref_squeeze %dma_wait3A_259 : memref<1x32xi32, #tpu.memory_space<vmem>> -> memref<32xi32, #tpu.memory_space<vmem>>
        %dma_wait3A_261 = arith.constant 0 : i32
        %dma_wait3A_262 = arith.constant 0 : i32
        %dma_wait3A_263 = tpu.memref_slice %arg2[%dma_wait3A_261, %dma_wait3A_262] : memref<100000x128xf32, #tpu.memory_space<hbm>> -> memref<100000x128xf32, #tpu.memory_space<hbm>>
        tpu.wait_indirect_dma semaphore(%arg15 : memref<!tpu.dma_semaphore, #tpu.memory_space<semaphore_mem>>) src(%dma_wait3A_263 : memref<100000x128xf32, #tpu.memory_space<hbm>>) dst(%dma_wait3A_257 : memref<32x128xf32, #tpu.memory_space<vmem>>)
      } else {
      }
      %get3A_148 = arith.index_cast %add3A_117 : i32 to index
      %get3A_149 = tpu.vector_load %arg10[%get3A_148] {strides = array<i32>} : memref<144xi32, #tpu.memory_space<vmem>>, vector<16xi32>,
      %get3A_150 = vector.shape_cast %get3A_149 : vector<16xi32> to vector<16xi32>
      %slice3A_151 = vector.extract_strided_slice %get3A_150 {offsets = [0], sizes = [1], strides = [1]} : vector<16xi32> to vector<1xi32>
      %squeeze3A_152 = vector.extract %slice3A_151[0] : i32 from vector<1xi32>
      %le3A_153 = arith.constant 168 : i32
      %le3A_154 = arith.cmpi sle, %squeeze3A_152, %le3A_153 : i32
      %jit3A = arith.constant 168 : i32
      %jit3A_155 = arith.constant 200 : i32
      %select_n3A = arith.select %le3A_154, %jit3A, %jit3A_155 : i32
      %le3A_156 = arith.constant 128 : i32
      %le3A_157 = arith.cmpi sle, %squeeze3A_152, %le3A_156 : i32
      %jit3A_158 = arith.constant 128 : i32
      %select_n3A_159 = arith.select %le3A_157, %jit3A_158, %select_n3A : i32
      %le3A_160 = arith.constant 64 : i32
      %le3A_161 = arith.cmpi sle, %squeeze3A_152, %le3A_160 : i32
      %jit3A_162 = arith.constant 64 : i32
      %select_n3A_163 = arith.select %le3A_161, %jit3A_162, %select_n3A_159 : i32
      %max3A = arith.maxsi %select_n3A_163, %scan3A_112 : i32
      %while3A = arith.constant 0 : i32
      %while3A_164 = arith.subi %max3A, %squeeze3A_152 : i32
      %while3A_165 = arith.addi %squeeze3A_152, %while3A_164 : i32
      %while3A_166 = arith.constant 1 : i32
      %while3A_167 = arith.divsi %while3A_164, %while3A_166 : i32
      %while3A_168 = arith.muli %while3A_167, %while3A_166 : i32
      %while3A_169 = arith.addi %squeeze3A_152, %while3A_168 : i32
      %while3A_170 = arith.constant 1 : i32
      scf.for %while3A_255 = %squeeze3A_152 to %while3A_169 step %while3A_170  : i32 {
        %swap3A = arith.index_cast %while3A_255 : i32 to index
        %swap3A_256 = arith.constant 0 : index
        %swap3A_257 = tpu.vector_load %arg13[%swap3A, %swap3A_256] {strides = array<i32>} : memref<200x128xf32, #tpu.memory_space<vmem>>, vector<1x16xf32>,
        %swap3A_258 = vector.shape_cast %swap3A_257 : vector<1x16xf32> to vector<16xf32>
        %swap3A_259 = vector.shape_cast %broadcast_in_dim3A_71 : vector<16xf32> to vector<1x16xf32>
        tpu.vector_store %arg13[%swap3A, %swap3A_256], %swap3A_259 {strides = array<i32>} : memref<200x128xf32, #tpu.memory_space<vmem>>, vector<1x16xf32>,
        %swap3A_260 = arith.index_cast %while3A_255 : i32 to index
        %swap3A_261 = arith.constant 16 : index
        %swap3A_262 = tpu.vector_load %arg13[%swap3A_260, %swap3A_261] {strides = array<i32>} : memref<200x128xf32, #tpu.memory_space<vmem>>, vector<1x16xf32>,
        %swap3A_263 = vector.shape_cast %swap3A_262 : vector<1x16xf32> to vector<16xf32>
        %swap3A_264 = vector.shape_cast %broadcast_in_dim3A_71 : vector<16xf32> to vector<1x16xf32>
        tpu.vector_store %arg13[%swap3A_260, %swap3A_261], %swap3A_264 {strides = array<i32>} : memref<200x128xf32, #tpu.memory_space<vmem>>, vector<1x16xf32>,
        %swap3A_265 = arith.index_cast %while3A_255 : i32 to index
        %swap3A_266 = arith.constant 32 : index
        %swap3A_267 = tpu.vector_load %arg13[%swap3A_265, %swap3A_266] {strides = array<i32>} : memref<200x128xf32, #tpu.memory_space<vmem>>, vector<1x16xf32>,
        %swap3A_268 = vector.shape_cast %swap3A_267 : vector<1x16xf32> to vector<16xf32>
        %swap3A_269 = vector.shape_cast %broadcast_in_dim3A_71 : vector<16xf32> to vector<1x16xf32>
        tpu.vector_store %arg13[%swap3A_265, %swap3A_266], %swap3A_269 {strides = array<i32>} : memref<200x128xf32, #tpu.memory_space<vmem>>, vector<1x16xf32>,
        %swap3A_270 = arith.index_cast %while3A_255 : i32 to index
        %swap3A_271 = arith.constant 48 : index
        %swap3A_272 = tpu.vector_load %arg13[%swap3A_270, %swap3A_271] {strides = array<i32>} : memref<200x128xf32, #tpu.memory_space<vmem>>, vector<1x16xf32>,
        %swap3A_273 = vector.shape_cast %swap3A_272 : vector<1x16xf32> to vector<16xf32>
        %swap3A_274 = vector.shape_cast %broadcast_in_dim3A_71 : vector<16xf32> to vector<1x16xf32>
        tpu.vector_store %arg13[%swap3A_270, %swap3A_271], %swap3A_274 {strides = array<i32>} : memref<200x128xf32, #tpu.memory_space<vmem>>, vector<1x16xf32>,
        %swap3A_275 = arith.index_cast %while3A_255 : i32 to index
        %swap3A_276 = arith.constant 64 : index
        %swap3A_277 = tpu.vector_load %arg13[%swap3A_275, %swap3A_276] {strides = array<i32>} : memref<200x128xf32, #tpu.memory_space<vmem>>, vector<1x16xf32>,
        %swap3A_278 = vector.shape_cast %swap3A_277 : vector<1x16xf32> to vector<16xf32>
        %swap3A_279 = vector.shape_cast %broadcast_in_dim3A_71 : vector<16xf32> to vector<1x16xf32>
        tpu.vector_store %arg13[%swap3A_275, %swap3A_276], %swap3A_279 {strides = array<i32>} : memref<200x128xf32, #tpu.memory_space<vmem>>, vector<1x16xf32>,
        %swap3A_280 = arith.index_cast %while3A_255 : i32 to index
        %swap3A_281 = arith.constant 80 : index
        %swap3A_282 = tpu.vector_load %arg13[%swap3A_280, %swap3A_281] {strides = array<i32>} : memref<200x128xf32, #tpu.memory_space<vmem>>, vector<1x16xf32>,
        %swap3A_283 = vector.shape_cast %swap3A_282 : vector<1x16xf32> to vector<16xf32>
        %swap3A_284 = vector.shape_cast %broadcast_in_dim3A_71 : vector<16xf32> to vector<1x16xf32>
        tpu.vector_store %arg13[%swap3A_280, %swap3A_281], %swap3A_284 {strides = array<i32>} : memref<200x128xf32, #tpu.memory_space<vmem>>, vector<1x16xf32>,
        %swap3A_285 = arith.index_cast %while3A_255 : i32 to index
        %swap3A_286 = arith.constant 96 : index
        %swap3A_287 = tpu.vector_load %arg13[%swap3A_285, %swap3A_286] {strides = array<i32>} : memref<200x128xf32, #tpu.memory_space<vmem>>, vector<1x16xf32>,
        %swap3A_288 = vector.shape_cast %swap3A_287 : vector<1x16xf32> to vector<16xf32>
        %swap3A_289 = vector.shape_cast %broadcast_in_dim3A_71 : vector<16xf32> to vector<1x16xf32>
        tpu.vector_store %arg13[%swap3A_285, %swap3A_286], %swap3A_289 {strides = array<i32>} : memref<200x128xf32, #tpu.memory_space<vmem>>, vector<1x16xf32>,
        %swap3A_290 = arith.index_cast %while3A_255 : i32 to index
        %swap3A_291 = arith.constant 112 : index
        %swap3A_292 = tpu.vector_load %arg13[%swap3A_290, %swap3A_291] {strides = array<i32>} : memref<200x128xf32, #tpu.memory_space<vmem>>, vector<1x16xf32>,
        %swap3A_293 = vector.shape_cast %swap3A_292 : vector<1x16xf32> to vector<16xf32>
        %swap3A_294 = vector.shape_cast %broadcast_in_dim3A_71 : vector<16xf32> to vector<1x16xf32>
        tpu.vector_store %arg13[%swap3A_290, %swap3A_291], %swap3A_294 {strides = array<i32>} : memref<200x128xf32, #tpu.memory_space<vmem>>, vector<1x16xf32>,
      }
      %while3A_171 = arith.constant 1 : i32
      scf.for %while3A_255 = %while3A_169 to %while3A_165 step %while3A_171  : i32 {
        %swap3A = arith.index_cast %while3A_255 : i32 to index
        %swap3A_256 = arith.constant 0 : index
        %swap3A_257 = tpu.vector_load %arg13[%swap3A, %swap3A_256] {strides = array<i32>} : memref<200x128xf32, #tpu.memory_space<vmem>>, vector<1x16xf32>,
        %swap3A_258 = vector.shape_cast %swap3A_257 : vector<1x16xf32> to vector<16xf32>
        %swap3A_259 = vector.shape_cast %broadcast_in_dim3A_71 : vector<16xf32> to vector<1x16xf32>
        tpu.vector_store %arg13[%swap3A, %swap3A_256], %swap3A_259 {strides = array<i32>} : memref<200x128xf32, #tpu.memory_space<vmem>>, vector<1x16xf32>,
        %swap3A_260 = arith.index_cast %while3A_255 : i32 to index
        %swap3A_261 = arith.constant 16 : index
        %swap3A_262 = tpu.vector_load %arg13[%swap3A_260, %swap3A_261] {strides = array<i32>} : memref<200x128xf32, #tpu.memory_space<vmem>>, vector<1x16xf32>,
        %swap3A_263 = vector.shape_cast %swap3A_262 : vector<1x16xf32> to vector<16xf32>
        %swap3A_264 = vector.shape_cast %broadcast_in_dim3A_71 : vector<16xf32> to vector<1x16xf32>
        tpu.vector_store %arg13[%swap3A_260, %swap3A_261], %swap3A_264 {strides = array<i32>} : memref<200x128xf32, #tpu.memory_space<vmem>>, vector<1x16xf32>,
        %swap3A_265 = arith.index_cast %while3A_255 : i32 to index
        %swap3A_266 = arith.constant 32 : index
        %swap3A_267 = tpu.vector_load %arg13[%swap3A_265, %swap3A_266] {strides = array<i32>} : memref<200x128xf32, #tpu.memory_space<vmem>>, vector<1x16xf32>,
        %swap3A_268 = vector.shape_cast %swap3A_267 : vector<1x16xf32> to vector<16xf32>
        %swap3A_269 = vector.shape_cast %broadcast_in_dim3A_71 : vector<16xf32> to vector<1x16xf32>
        tpu.vector_store %arg13[%swap3A_265, %swap3A_266], %swap3A_269 {strides = array<i32>} : memref<200x128xf32, #tpu.memory_space<vmem>>, vector<1x16xf32>,
        %swap3A_270 = arith.index_cast %while3A_255 : i32 to index
        %swap3A_271 = arith.constant 48 : index
        %swap3A_272 = tpu.vector_load %arg13[%swap3A_270, %swap3A_271] {strides = array<i32>} : memref<200x128xf32, #tpu.memory_space<vmem>>, vector<1x16xf32>,
        %swap3A_273 = vector.shape_cast %swap3A_272 : vector<1x16xf32> to vector<16xf32>
        %swap3A_274 = vector.shape_cast %broadcast_in_dim3A_71 : vector<16xf32> to vector<1x16xf32>
        tpu.vector_store %arg13[%swap3A_270, %swap3A_271], %swap3A_274 {strides = array<i32>} : memref<200x128xf32, #tpu.memory_space<vmem>>, vector<1x16xf32>,
        %swap3A_275 = arith.index_cast %while3A_255 : i32 to index
        %swap3A_276 = arith.constant 64 : index
        %swap3A_277 = tpu.vector_load %arg13[%swap3A_275, %swap3A_276] {strides = array<i32>} : memref<200x128xf32, #tpu.memory_space<vmem>>, vector<1x16xf32>,
        %swap3A_278 = vector.shape_cast %swap3A_277 : vector<1x16xf32> to vector<16xf32>
        %swap3A_279 = vector.shape_cast %broadcast_in_dim3A_71 : vector<16xf32> to vector<1x16xf32>
        tpu.vector_store %arg13[%swap3A_275, %swap3A_276], %swap3A_279 {strides = array<i32>} : memref<200x128xf32, #tpu.memory_space<vmem>>, vector<1x16xf32>,
        %swap3A_280 = arith.index_cast %while3A_255 : i32 to index
        %swap3A_281 = arith.constant 80 : index
        %swap3A_282 = tpu.vector_load %arg13[%swap3A_280, %swap3A_281] {strides = array<i32>} : memref<200x128xf32, #tpu.memory_space<vmem>>, vector<1x16xf32>,
        %swap3A_283 = vector.shape_cast %swap3A_282 : vector<1x16xf32> to vector<16xf32>
        %swap3A_284 = vector.shape_cast %broadcast_in_dim3A_71 : vector<16xf32> to vector<1x16xf32>
        tpu.vector_store %arg13[%swap3A_280, %swap3A_281], %swap3A_284 {strides = array<i32>} : memref<200x128xf32, #tpu.memory_space<vmem>>, vector<1x16xf32>,
        %swap3A_285 = arith.index_cast %while3A_255 : i32 to index
        %swap3A_286 = arith.constant 96 : index
        %swap3A_287 = tpu.vector_load %arg13[%swap3A_285, %swap3A_286] {strides = array<i32>} : memref<200x128xf32, #tpu.memory_space<vmem>>, vector<1x16xf32>,
        %swap3A_288 = vector.shape_cast %swap3A_287 : vector<1x16xf32> to vector<16xf32>
        %swap3A_289 = vector.shape_cast %broadcast_in_dim3A_71 : vector<16xf32> to vector<1x16xf32>
        tpu.vector_store %arg13[%swap3A_285, %swap3A_286], %swap3A_289 {strides = array<i32>} : memref<200x128xf32, #tpu.memory_space<vmem>>, vector<1x16xf32>,
        %swap3A_290 = arith.index_cast %while3A_255 : i32 to index
        %swap3A_291 = arith.constant 112 : index
        %swap3A_292 = tpu.vector_load %arg13[%swap3A_290, %swap3A_291] {strides = array<i32>} : memref<200x128xf32, #tpu.memory_space<vmem>>, vector<1x16xf32>,
        %swap3A_293 = vector.shape_cast %swap3A_292 : vector<1x16xf32> to vector<16xf32>
        %swap3A_294 = vector.shape_cast %broadcast_in_dim3A_71 : vector<16xf32> to vector<1x16xf32>
        tpu.vector_store %arg13[%swap3A_290, %swap3A_291], %swap3A_294 {strides = array<i32>} : memref<200x128xf32, #tpu.memory_space<vmem>>, vector<1x16xf32>,
      }
      %add3A_172 = arith.addi %mul3A_2, %add3A_117 : i32
      %dma_start3A_173 = arith.constant 0 : i32
      %dma_start3A_174 = arith.constant 0 : i32
      %dma_start3A_175 = tpu.memref_slice %arg6[%add3A_172, %dma_start3A_173, %dma_start3A_174] : memref<4096x200x128xf32, #tpu.memory_space<hbm>> -> memref<1x200x128xf32, #tpu.memory_space<hbm>>
      %dma_start3A_176 = tpu.memref_squeeze %dma_start3A_175 : memref<1x200x128xf32, #tpu.memory_space<hbm>> -> memref<200x128xf32, #tpu.memory_space<hbm>>
      %dma_start3A_177 = arith.constant 0 : i32
      %dma_start3A_178 = arith.constant 0 : i32
      %dma_start3A_179 = tpu.memref_slice %arg6[%add3A_172, %dma_start3A_177, %dma_start3A_178] : memref<4096x200x128xf32, #tpu.memory_space<hbm>> -> memref<1x200x128xf32, #tpu.memory_space<hbm>>
      %dma_start3A_180 = tpu.memref_squeeze %dma_start3A_179 : memref<1x200x128xf32, #tpu.memory_space<hbm>> -> memref<200x128xf32, #tpu.memory_space<hbm>>
      tpu.enqueue_dma source(%arg13 : memref<200x128xf32, #tpu.memory_space<vmem>>) target(%dma_start3A_180 : memref<200x128xf32, #tpu.memory_space<hbm>>) target_semaphore(%arg17 : memref<!tpu.dma_semaphore, #tpu.memory_space<semaphore_mem>>)
      %mul3A_181 = arith.constant 2 : i32
      %mul3A_182 = arith.muli %mul3A_181, %scan3A_111 : i32
      %add3A_183 = arith.constant 1 : i32
      %add3A_184 = arith.addi %mul3A_182, %add3A_183 : i32
      %ge3A_185 = arith.constant 1 : i32
      %ge3A_186 = arith.cmpi sge, %add3A_184, %ge3A_185 : i32
      %le3A_187 = arith.constant 126 : i32
      %le3A_188 = arith.cmpi sle, %add3A_184, %le3A_187 : i32
      %and3A_189 = arith.andi %ge3A_186, %le3A_188 : i1
      %convert_element_type3A_190 = arith.extui %and3A_189 : i1 to i32
      %cond3A_191 = arith.constant 0 : i32
      %cond3A_192 = arith.cmpi ne, %convert_element_type3A_190, %cond3A_191 : i32
      scf.if %cond3A_192 {
        %sub3A = arith.constant 1 : i32
        %sub3A_255 = arith.subi %add3A_184, %sub3A : i32
        %add3A_256 = arith.addi %mul3A_2, %sub3A_255 : i32
        %dma_wait3A_257 = arith.constant 0 : i32
        %dma_wait3A_258 = arith.constant 0 : i32
        %dma_wait3A_259 = tpu.memref_slice %arg6[%add3A_256, %dma_wait3A_257, %dma_wait3A_258] : memref<4096x200x128xf32, #tpu.memory_space<hbm>> -> memref<1x200x128xf32, #tpu.memory_space<hbm>>
        %dma_wait3A_260 = tpu.memref_squeeze %dma_wait3A_259 : memref<1x200x128xf32, #tpu.memory_space<hbm>> -> memref<200x128xf32, #tpu.memory_space<hbm>>
        %dma_wait3A_261 = arith.constant 0 : i32
        %dma_wait3A_262 = arith.constant 0 : i32
        %dma_wait3A_263 = tpu.memref_slice %arg6[%add3A_256, %dma_wait3A_261, %dma_wait3A_262] : memref<4096x200x128xf32, #tpu.memory_space<hbm>> -> memref<1x200x128xf32, #tpu.memory_space<hbm>>
        %dma_wait3A_264 = tpu.memref_squeeze %dma_wait3A_263 : memref<1x200x128xf32, #tpu.memory_space<hbm>> -> memref<200x128xf32, #tpu.memory_space<hbm>>
        tpu.wait_dma2 semaphore(%arg17 : memref<!tpu.dma_semaphore, #tpu.memory_space<semaphore_mem>>) src(%arg13 : memref<200x128xf32, #tpu.memory_space<vmem>>) dst(%dma_wait3A_264 : memref<200x128xf32, #tpu.memory_space<hbm>>)
        %add3A_265 = arith.constant 1 : i32
        %add3A_266 = arith.addi %add3A_184, %add3A_265 : i32
        %get3A_267 = arith.index_cast %add3A_266 : i32 to index
        %get3A_268 = tpu.vector_load %arg10[%get3A_267] {strides = array<i32>} : memref<144xi32, #tpu.memory_space<vmem>>, vector<16xi32>,
        %get3A_269 = vector.shape_cast %get3A_268 : vector<16xi32> to vector<16xi32>
        %slice3A_270 = vector.extract_strided_slice %get3A_269 {offsets = [0], sizes = [1], strides = [1]} : vector<16xi32> to vector<1xi32>
        %squeeze3A_271 = vector.extract %slice3A_270[0] : i32 from vector<1xi32>
        %lt3A_272 = arith.constant 0 : i32
        %lt3A_273 = arith.cmpi slt, %lt3A_272, %squeeze3A_271 : i32
        %convert_element_type3A_274 = arith.extui %lt3A_273 : i1 to i32
        %cond3A_275 = arith.constant 0 : i32
        %cond3A_276 = arith.cmpi ne, %convert_element_type3A_274, %cond3A_275 : i32
        scf.if %cond3A_276 {
          %dma_start3A_292 = arith.constant 0 : i32
          %dma_start3A_293 = arith.constant 0 : i32
          %dma_start3A_294 = tpu.memref_slice %arg13[%dma_start3A_292, %dma_start3A_293] : memref<200x128xf32, #tpu.memory_space<vmem>> -> memref<64x128xf32, #tpu.memory_space<vmem>>
          %dma_start3A_295 = arith.constant 0 : i32
          %dma_start3A_296 = tpu.memref_slice %arg9[%add3A_266, %dma_start3A_295] : memref<128x200xi32, #tpu.memory_space<vmem>> -> memref<1x64xi32, #tpu.memory_space<vmem>>
          %dma_start3A_297 = tpu.memref_squeeze %dma_start3A_296 : memref<1x64xi32, #tpu.memory_space<vmem>> -> memref<64xi32, #tpu.memory_space<vmem>>
          %dma_start3A_298 = arith.constant 0 : i32
          %dma_start3A_299 = arith.constant 0 : i32
          %dma_start3A_300 = tpu.memref_slice %arg2[%dma_start3A_298, %dma_start3A_299] : memref<100000x128xf32, #tpu.memory_space<hbm>> -> memref<100000x128xf32, #tpu.memory_space<hbm>>
          tpu.enqueue_indirect_dma source(%dma_start3A_300 : memref<100000x128xf32, #tpu.memory_space<hbm>>) target(%dma_start3A_294 : memref<64x128xf32, #tpu.memory_space<vmem>>) offsets(%dma_start3A_297 : memref<64xi32, #tpu.memory_space<vmem>>) semaphore(%arg15 : memref<!tpu.dma_semaphore, #tpu.memory_space<semaphore_mem>>)
        } else {
        }
        %lt3A_277 = arith.constant 64 : i32
        %lt3A_278 = arith.cmpi slt, %lt3A_277, %squeeze3A_271 : i32
        %convert_element_type3A_279 = arith.extui %lt3A_278 : i1 to i32
        %cond3A_280 = arith.constant 0 : i32
        %cond3A_281 = arith.cmpi ne, %convert_element_type3A_279, %cond3A_280 : i32
        scf.if %cond3A_281 {
          %dma_start3A_292 = arith.constant 64 : i32
          %dma_start3A_293 = arith.constant 0 : i32
          %dma_start3A_294 = tpu.memref_slice %arg13[%dma_start3A_292, %dma_start3A_293] : memref<200x128xf32, #tpu.memory_space<vmem>> -> memref<64x128xf32, #tpu.memory_space<vmem>>
          %dma_start3A_295 = arith.constant 64 : i32
          %dma_start3A_296 = tpu.memref_slice %arg9[%add3A_266, %dma_start3A_295] : memref<128x200xi32, #tpu.memory_space<vmem>> -> memref<1x64xi32, #tpu.memory_space<vmem>>
          %dma_start3A_297 = tpu.memref_squeeze %dma_start3A_296 : memref<1x64xi32, #tpu.memory_space<vmem>> -> memref<64xi32, #tpu.memory_space<vmem>>
          %dma_start3A_298 = arith.constant 0 : i32
          %dma_start3A_299 = arith.constant 0 : i32
          %dma_start3A_300 = tpu.memref_slice %arg2[%dma_start3A_298, %dma_start3A_299] : memref<100000x128xf32, #tpu.memory_space<hbm>> -> memref<100000x128xf32, #tpu.memory_space<hbm>>
          tpu.enqueue_indirect_dma source(%dma_start3A_300 : memref<100000x128xf32, #tpu.memory_space<hbm>>) target(%dma_start3A_294 : memref<64x128xf32, #tpu.memory_space<vmem>>) offsets(%dma_start3A_297 : memref<64xi32, #tpu.memory_space<vmem>>) semaphore(%arg15 : memref<!tpu.dma_semaphore, #tpu.memory_space<semaphore_mem>>)
        } else {
        }
        %lt3A_282 = arith.constant 128 : i32
        %lt3A_283 = arith.cmpi slt, %lt3A_282, %squeeze3A_271 : i32
        %convert_element_type3A_284 = arith.extui %lt3A_283 : i1 to i32
        %cond3A_285 = arith.constant 0 : i32
        %cond3A_286 = arith.cmpi ne, %convert_element_type3A_284, %cond3A_285 : i32
        scf.if %cond3A_286 {
          %dma_start3A_292 = arith.constant 128 : i32
          %dma_start3A_293 = arith.constant 0 : i32
          %dma_start3A_294 = tpu.memref_slice %arg13[%dma_start3A_292, %dma_start3A_293] : memref<200x128xf32, #tpu.memory_space<vmem>> -> memref<40x128xf32, #tpu.memory_space<vmem>>
          %dma_start3A_295 = arith.constant 128 : i32
          %dma_start3A_296 = tpu.memref_slice %arg9[%add3A_266, %dma_start3A_295] : memref<128x200xi32, #tpu.memory_space<vmem>> -> memref<1x40xi32, #tpu.memory_space<vmem>>
          %dma_start3A_297 = tpu.memref_squeeze %dma_start3A_296 : memref<1x40xi32, #tpu.memory_space<vmem>> -> memref<40xi32, #tpu.memory_space<vmem>>
          %dma_start3A_298 = arith.constant 0 : i32
          %dma_start3A_299 = arith.constant 0 : i32
          %dma_start3A_300 = tpu.memref_slice %arg2[%dma_start3A_298, %dma_start3A_299] : memref<100000x128xf32, #tpu.memory_space<hbm>> -> memref<100000x128xf32, #tpu.memory_space<hbm>>
          tpu.enqueue_indirect_dma source(%dma_start3A_300 : memref<100000x128xf32, #tpu.memory_space<hbm>>) target(%dma_start3A_294 : memref<40x128xf32, #tpu.memory_space<vmem>>) offsets(%dma_start3A_297 : memref<40xi32, #tpu.memory_space<vmem>>) semaphore(%arg15 : memref<!tpu.dma_semaphore, #tpu.memory_space<semaphore_mem>>)
        } else {
        }
        %lt3A_287 = arith.constant 168 : i32
        %lt3A_288 = arith.cmpi slt, %lt3A_287, %squeeze3A_271 : i32
        %convert_element_type3A_289 = arith.extui %lt3A_288 : i1 to i32
        %cond3A_290 = arith.constant 0 : i32
        %cond3A_291 = arith.cmpi ne, %convert_element_type3A_289, %cond3A_290 : i32
        scf.if %cond3A_291 {
          %dma_start3A_292 = arith.constant 168 : i32
          %dma_start3A_293 = arith.constant 0 : i32
          %dma_start3A_294 = tpu.memref_slice %arg13[%dma_start3A_292, %dma_start3A_293] : memref<200x128xf32, #tpu.memory_space<vmem>> -> memref<32x128xf32, #tpu.memory_space<vmem>>
          %dma_start3A_295 = arith.constant 168 : i32
          %dma_start3A_296 = tpu.memref_slice %arg9[%add3A_266, %dma_start3A_295] : memref<128x200xi32, #tpu.memory_space<vmem>> -> memref<1x32xi32, #tpu.memory_space<vmem>>
          %dma_start3A_297 = tpu.memref_squeeze %dma_start3A_296 : memref<1x32xi32, #tpu.memory_space<vmem>> -> memref<32xi32, #tpu.memory_space<vmem>>
          %dma_start3A_298 = arith.constant 0 : i32
          %dma_start3A_299 = arith.constant 0 : i32
          %dma_start3A_300 = tpu.memref_slice %arg2[%dma_start3A_298, %dma_start3A_299] : memref<100000x128xf32, #tpu.memory_space<hbm>> -> memref<100000x128xf32, #tpu.memory_space<hbm>>
          tpu.enqueue_indirect_dma source(%dma_start3A_300 : memref<100000x128xf32, #tpu.memory_space<hbm>>) target(%dma_start3A_294 : memref<32x128xf32, #tpu.memory_space<vmem>>) offsets(%dma_start3A_297 : memref<32xi32, #tpu.memory_space<vmem>>) semaphore(%arg15 : memref<!tpu.dma_semaphore, #tpu.memory_space<semaphore_mem>>)
        } else {
        }
      } else {
      }
      %get3A_193 = arith.index_cast %add3A_184 : i32 to index
      %get3A_194 = tpu.vector_load %arg10[%get3A_193] {strides = array<i32>} : memref<144xi32, #tpu.memory_space<vmem>>, vector<16xi32>,
      %get3A_195 = vector.shape_cast %get3A_194 : vector<16xi32> to vector<16xi32>
      %slice3A_196 = vector.extract_strided_slice %get3A_195 {offsets = [0], sizes = [1], strides = [1]} : vector<16xi32> to vector<1xi32>
      %squeeze3A_197 = vector.extract %slice3A_196[0] : i32 from vector<1xi32>
      %lt3A_198 = arith.constant 0 : i32
      %lt3A_199 = arith.cmpi slt, %lt3A_198, %squeeze3A_197 : i32
      %convert_element_type3A_200 = arith.extui %lt3A_199 : i1 to i32
      %cond3A_201 = arith.constant 0 : i32
      %cond3A_202 = arith.cmpi ne, %convert_element_type3A_200, %cond3A_201 : i32
      scf.if %cond3A_202 {
        %dma_wait3A_255 = arith.constant 0 : i32
        %dma_wait3A_256 = arith.constant 0 : i32
        %dma_wait3A_257 = tpu.memref_slice %arg14[%dma_wait3A_255, %dma_wait3A_256] : memref<200x128xf32, #tpu.memory_space<vmem>> -> memref<64x128xf32, #tpu.memory_space<vmem>>
        %dma_wait3A_258 = arith.constant 0 : i32
        %dma_wait3A_259 = tpu.memref_slice %arg9[%add3A_184, %dma_wait3A_258] : memref<128x200xi32, #tpu.memory_space<vmem>> -> memref<1x64xi32, #tpu.memory_space<vmem>>
        %dma_wait3A_260 = tpu.memref_squeeze %dma_wait3A_259 : memref<1x64xi32, #tpu.memory_space<vmem>> -> memref<64xi32, #tpu.memory_space<vmem>>
        %dma_wait3A_261 = arith.constant 0 : i32
        %dma_wait3A_262 = arith.constant 0 : i32
        %dma_wait3A_263 = tpu.memref_slice %arg2[%dma_wait3A_261, %dma_wait3A_262] : memref<100000x128xf32, #tpu.memory_space<hbm>> -> memref<100000x128xf32, #tpu.memory_space<hbm>>
        tpu.wait_indirect_dma semaphore(%arg16 : memref<!tpu.dma_semaphore, #tpu.memory_space<semaphore_mem>>) src(%dma_wait3A_263 : memref<100000x128xf32, #tpu.memory_space<hbm>>) dst(%dma_wait3A_257 : memref<64x128xf32, #tpu.memory_space<vmem>>)
      } else {
      }
      %lt3A_203 = arith.constant 64 : i32
      %lt3A_204 = arith.cmpi slt, %lt3A_203, %squeeze3A_197 : i32
      %convert_element_type3A_205 = arith.extui %lt3A_204 : i1 to i32
      %cond3A_206 = arith.constant 0 : i32
      %cond3A_207 = arith.cmpi ne, %convert_element_type3A_205, %cond3A_206 : i32
      scf.if %cond3A_207 {
        %dma_wait3A_255 = arith.constant 64 : i32
        %dma_wait3A_256 = arith.constant 0 : i32
        %dma_wait3A_257 = tpu.memref_slice %arg14[%dma_wait3A_255, %dma_wait3A_256] : memref<200x128xf32, #tpu.memory_space<vmem>> -> memref<64x128xf32, #tpu.memory_space<vmem>>
        %dma_wait3A_258 = arith.constant 64 : i32
        %dma_wait3A_259 = tpu.memref_slice %arg9[%add3A_184, %dma_wait3A_258] : memref<128x200xi32, #tpu.memory_space<vmem>> -> memref<1x64xi32, #tpu.memory_space<vmem>>
        %dma_wait3A_260 = tpu.memref_squeeze %dma_wait3A_259 : memref<1x64xi32, #tpu.memory_space<vmem>> -> memref<64xi32, #tpu.memory_space<vmem>>
        %dma_wait3A_261 = arith.constant 0 : i32
        %dma_wait3A_262 = arith.constant 0 : i32
        %dma_wait3A_263 = tpu.memref_slice %arg2[%dma_wait3A_261, %dma_wait3A_262] : memref<100000x128xf32, #tpu.memory_space<hbm>> -> memref<100000x128xf32, #tpu.memory_space<hbm>>
        tpu.wait_indirect_dma semaphore(%arg16 : memref<!tpu.dma_semaphore, #tpu.memory_space<semaphore_mem>>) src(%dma_wait3A_263 : memref<100000x128xf32, #tpu.memory_space<hbm>>) dst(%dma_wait3A_257 : memref<64x128xf32, #tpu.memory_space<vmem>>)
      } else {
      }
      %lt3A_208 = arith.constant 128 : i32
      %lt3A_209 = arith.cmpi slt, %lt3A_208, %squeeze3A_197 : i32
      %convert_element_type3A_210 = arith.extui %lt3A_209 : i1 to i32
      %cond3A_211 = arith.constant 0 : i32
      %cond3A_212 = arith.cmpi ne, %convert_element_type3A_210, %cond3A_211 : i32
      scf.if %cond3A_212 {
        %dma_wait3A_255 = arith.constant 128 : i32
        %dma_wait3A_256 = arith.constant 0 : i32
        %dma_wait3A_257 = tpu.memref_slice %arg14[%dma_wait3A_255, %dma_wait3A_256] : memref<200x128xf32, #tpu.memory_space<vmem>> -> memref<40x128xf32, #tpu.memory_space<vmem>>
        %dma_wait3A_258 = arith.constant 128 : i32
        %dma_wait3A_259 = tpu.memref_slice %arg9[%add3A_184, %dma_wait3A_258] : memref<128x200xi32, #tpu.memory_space<vmem>> -> memref<1x40xi32, #tpu.memory_space<vmem>>
        %dma_wait3A_260 = tpu.memref_squeeze %dma_wait3A_259 : memref<1x40xi32, #tpu.memory_space<vmem>> -> memref<40xi32, #tpu.memory_space<vmem>>
        %dma_wait3A_261 = arith.constant 0 : i32
        %dma_wait3A_262 = arith.constant 0 : i32
        %dma_wait3A_263 = tpu.memref_slice %arg2[%dma_wait3A_261, %dma_wait3A_262] : memref<100000x128xf32, #tpu.memory_space<hbm>> -> memref<100000x128xf32, #tpu.memory_space<hbm>>
        tpu.wait_indirect_dma semaphore(%arg16 : memref<!tpu.dma_semaphore, #tpu.memory_space<semaphore_mem>>) src(%dma_wait3A_263 : memref<100000x128xf32, #tpu.memory_space<hbm>>) dst(%dma_wait3A_257 : memref<40x128xf32, #tpu.memory_space<vmem>>)
      } else {
      }
      %lt3A_213 = arith.constant 168 : i32
      %lt3A_214 = arith.cmpi slt, %lt3A_213, %squeeze3A_197 : i32
      %convert_element_type3A_215 = arith.extui %lt3A_214 : i1 to i32
      %cond3A_216 = arith.constant 0 : i32
      %cond3A_217 = arith.cmpi ne, %convert_element_type3A_215, %cond3A_216 : i32
      scf.if %cond3A_217 {
        %dma_wait3A_255 = arith.constant 168 : i32
        %dma_wait3A_256 = arith.constant 0 : i32
        %dma_wait3A_257 = tpu.memref_slice %arg14[%dma_wait3A_255, %dma_wait3A_256] : memref<200x128xf32, #tpu.memory_space<vmem>> -> memref<32x128xf32, #tpu.memory_space<vmem>>
        %dma_wait3A_258 = arith.constant 168 : i32
        %dma_wait3A_259 = tpu.memref_slice %arg9[%add3A_184, %dma_wait3A_258] : memref<128x200xi32, #tpu.memory_space<vmem>> -> memref<1x32xi32, #tpu.memory_space<vmem>>
        %dma_wait3A_260 = tpu.memref_squeeze %dma_wait3A_259 : memref<1x32xi32, #tpu.memory_space<vmem>> -> memref<32xi32, #tpu.memory_space<vmem>>
        %dma_wait3A_261 = arith.constant 0 : i32
        %dma_wait3A_262 = arith.constant 0 : i32
        %dma_wait3A_263 = tpu.memref_slice %arg2[%dma_wait3A_261, %dma_wait3A_262] : memref<100000x128xf32, #tpu.memory_space<hbm>> -> memref<100000x128xf32, #tpu.memory_space<hbm>>
        tpu.wait_indirect_dma semaphore(%arg16 : memref<!tpu.dma_semaphore, #tpu.memory_space<semaphore_mem>>) src(%dma_wait3A_263 : memref<100000x128xf32, #tpu.memory_space<hbm>>) dst(%dma_wait3A_257 : memref<32x128xf32, #tpu.memory_space<vmem>>)
      } else {
      }
      %get3A_218 = arith.index_cast %add3A_184 : i32 to index
      %get3A_219 = tpu.vector_load %arg10[%get3A_218] {strides = array<i32>} : memref<144xi32, #tpu.memory_space<vmem>>, vector<16xi32>,
      %get3A_220 = vector.shape_cast %get3A_219 : vector<16xi32> to vector<16xi32>
      %slice3A_221 = vector.extract_strided_slice %get3A_220 {offsets = [0], sizes = [1], strides = [1]} : vector<16xi32> to vector<1xi32>
      %squeeze3A_222 = vector.extract %slice3A_221[0] : i32 from vector<1xi32>
      %le3A_223 = arith.constant 168 : i32
      %le3A_224 = arith.cmpi sle, %squeeze3A_222, %le3A_223 : i32
      %jit3A_225 = arith.constant 168 : i32
      %jit3A_226 = arith.constant 200 : i32
      %select_n3A_227 = arith.select %le3A_224, %jit3A_225, %jit3A_226 : i32
      %le3A_228 = arith.constant 128 : i32
      %le3A_229 = arith.cmpi sle, %squeeze3A_222, %le3A_228 : i32
      %jit3A_230 = arith.constant 128 : i32
      %select_n3A_231 = arith.select %le3A_229, %jit3A_230, %select_n3A_227 : i32
      %le3A_232 = arith.constant 64 : i32
      %le3A_233 = arith.cmpi sle, %squeeze3A_222, %le3A_232 : i32
      %jit3A_234 = arith.constant 64 : i32
      %select_n3A_235 = arith.select %le3A_233, %jit3A_234, %select_n3A_231 : i32
      %max3A_236 = arith.maxsi %select_n3A_235, %scan3A_113 : i32
      %while3A_237 = arith.constant 0 : i32
      %while3A_238 = arith.subi %max3A_236, %squeeze3A_222 : i32
      %while3A_239 = arith.addi %squeeze3A_222, %while3A_238 : i32
      %while3A_240 = arith.constant 1 : i32
      %while3A_241 = arith.divsi %while3A_238, %while3A_240 : i32
      %while3A_242 = arith.muli %while3A_241, %while3A_240 : i32
      %while3A_243 = arith.addi %squeeze3A_222, %while3A_242 : i32
      %while3A_244 = arith.constant 1 : i32
      scf.for %while3A_255 = %squeeze3A_222 to %while3A_243 step %while3A_244  : i32 {
        %swap3A = arith.index_cast %while3A_255 : i32 to index
        %swap3A_256 = arith.constant 0 : index
        %swap3A_257 = tpu.vector_load %arg14[%swap3A, %swap3A_256] {strides = array<i32>} : memref<200x128xf32, #tpu.memory_space<vmem>>, vector<1x16xf32>,
        %swap3A_258 = vector.shape_cast %swap3A_257 : vector<1x16xf32> to vector<16xf32>
        %swap3A_259 = vector.shape_cast %broadcast_in_dim3A_71 : vector<16xf32> to vector<1x16xf32>
        tpu.vector_store %arg14[%swap3A, %swap3A_256], %swap3A_259 {strides = array<i32>} : memref<200x128xf32, #tpu.memory_space<vmem>>, vector<1x16xf32>,
        %swap3A_260 = arith.index_cast %while3A_255 : i32 to index
        %swap3A_261 = arith.constant 16 : index
        %swap3A_262 = tpu.vector_load %arg14[%swap3A_260, %swap3A_261] {strides = array<i32>} : memref<200x128xf32, #tpu.memory_space<vmem>>, vector<1x16xf32>,
        %swap3A_263 = vector.shape_cast %swap3A_262 : vector<1x16xf32> to vector<16xf32>
        %swap3A_264 = vector.shape_cast %broadcast_in_dim3A_71 : vector<16xf32> to vector<1x16xf32>
        tpu.vector_store %arg14[%swap3A_260, %swap3A_261], %swap3A_264 {strides = array<i32>} : memref<200x128xf32, #tpu.memory_space<vmem>>, vector<1x16xf32>,
        %swap3A_265 = arith.index_cast %while3A_255 : i32 to index
        %swap3A_266 = arith.constant 32 : index
        %swap3A_267 = tpu.vector_load %arg14[%swap3A_265, %swap3A_266] {strides = array<i32>} : memref<200x128xf32, #tpu.memory_space<vmem>>, vector<1x16xf32>,
        %swap3A_268 = vector.shape_cast %swap3A_267 : vector<1x16xf32> to vector<16xf32>
        %swap3A_269 = vector.shape_cast %broadcast_in_dim3A_71 : vector<16xf32> to vector<1x16xf32>
        tpu.vector_store %arg14[%swap3A_265, %swap3A_266], %swap3A_269 {strides = array<i32>} : memref<200x128xf32, #tpu.memory_space<vmem>>, vector<1x16xf32>,
        %swap3A_270 = arith.index_cast %while3A_255 : i32 to index
        %swap3A_271 = arith.constant 48 : index
        %swap3A_272 = tpu.vector_load %arg14[%swap3A_270, %swap3A_271] {strides = array<i32>} : memref<200x128xf32, #tpu.memory_space<vmem>>, vector<1x16xf32>,
        %swap3A_273 = vector.shape_cast %swap3A_272 : vector<1x16xf32> to vector<16xf32>
        %swap3A_274 = vector.shape_cast %broadcast_in_dim3A_71 : vector<16xf32> to vector<1x16xf32>
        tpu.vector_store %arg14[%swap3A_270, %swap3A_271], %swap3A_274 {strides = array<i32>} : memref<200x128xf32, #tpu.memory_space<vmem>>, vector<1x16xf32>,
        %swap3A_275 = arith.index_cast %while3A_255 : i32 to index
        %swap3A_276 = arith.constant 64 : index
        %swap3A_277 = tpu.vector_load %arg14[%swap3A_275, %swap3A_276] {strides = array<i32>} : memref<200x128xf32, #tpu.memory_space<vmem>>, vector<1x16xf32>,
        %swap3A_278 = vector.shape_cast %swap3A_277 : vector<1x16xf32> to vector<16xf32>
        %swap3A_279 = vector.shape_cast %broadcast_in_dim3A_71 : vector<16xf32> to vector<1x16xf32>
        tpu.vector_store %arg14[%swap3A_275, %swap3A_276], %swap3A_279 {strides = array<i32>} : memref<200x128xf32, #tpu.memory_space<vmem>>, vector<1x16xf32>,
        %swap3A_280 = arith.index_cast %while3A_255 : i32 to index
        %swap3A_281 = arith.constant 80 : index
        %swap3A_282 = tpu.vector_load %arg14[%swap3A_280, %swap3A_281] {strides = array<i32>} : memref<200x128xf32, #tpu.memory_space<vmem>>, vector<1x16xf32>,
        %swap3A_283 = vector.shape_cast %swap3A_282 : vector<1x16xf32> to vector<16xf32>
        %swap3A_284 = vector.shape_cast %broadcast_in_dim3A_71 : vector<16xf32> to vector<1x16xf32>
        tpu.vector_store %arg14[%swap3A_280, %swap3A_281], %swap3A_284 {strides = array<i32>} : memref<200x128xf32, #tpu.memory_space<vmem>>, vector<1x16xf32>,
        %swap3A_285 = arith.index_cast %while3A_255 : i32 to index
        %swap3A_286 = arith.constant 96 : index
        %swap3A_287 = tpu.vector_load %arg14[%swap3A_285, %swap3A_286] {strides = array<i32>} : memref<200x128xf32, #tpu.memory_space<vmem>>, vector<1x16xf32>,
        %swap3A_288 = vector.shape_cast %swap3A_287 : vector<1x16xf32> to vector<16xf32>
        %swap3A_289 = vector.shape_cast %broadcast_in_dim3A_71 : vector<16xf32> to vector<1x16xf32>
        tpu.vector_store %arg14[%swap3A_285, %swap3A_286], %swap3A_289 {strides = array<i32>} : memref<200x128xf32, #tpu.memory_space<vmem>>, vector<1x16xf32>,
        %swap3A_290 = arith.index_cast %while3A_255 : i32 to index
        %swap3A_291 = arith.constant 112 : index
        %swap3A_292 = tpu.vector_load %arg14[%swap3A_290, %swap3A_291] {strides = array<i32>} : memref<200x128xf32, #tpu.memory_space<vmem>>, vector<1x16xf32>,
        %swap3A_293 = vector.shape_cast %swap3A_292 : vector<1x16xf32> to vector<16xf32>
        %swap3A_294 = vector.shape_cast %broadcast_in_dim3A_71 : vector<16xf32> to vector<1x16xf32>
        tpu.vector_store %arg14[%swap3A_290, %swap3A_291], %swap3A_294 {strides = array<i32>} : memref<200x128xf32, #tpu.memory_space<vmem>>, vector<1x16xf32>,
      }
      %while3A_245 = arith.constant 1 : i32
      scf.for %while3A_255 = %while3A_243 to %while3A_239 step %while3A_245  : i32 {
        %swap3A = arith.index_cast %while3A_255 : i32 to index
        %swap3A_256 = arith.constant 0 : index
        %swap3A_257 = tpu.vector_load %arg14[%swap3A, %swap3A_256] {strides = array<i32>} : memref<200x128xf32, #tpu.memory_space<vmem>>, vector<1x16xf32>,
        %swap3A_258 = vector.shape_cast %swap3A_257 : vector<1x16xf32> to vector<16xf32>
        %swap3A_259 = vector.shape_cast %broadcast_in_dim3A_71 : vector<16xf32> to vector<1x16xf32>
        tpu.vector_store %arg14[%swap3A, %swap3A_256], %swap3A_259 {strides = array<i32>} : memref<200x128xf32, #tpu.memory_space<vmem>>, vector<1x16xf32>,
        %swap3A_260 = arith.index_cast %while3A_255 : i32 to index
        %swap3A_261 = arith.constant 16 : index
        %swap3A_262 = tpu.vector_load %arg14[%swap3A_260, %swap3A_261] {strides = array<i32>} : memref<200x128xf32, #tpu.memory_space<vmem>>, vector<1x16xf32>,
        %swap3A_263 = vector.shape_cast %swap3A_262 : vector<1x16xf32> to vector<16xf32>
        %swap3A_264 = vector.shape_cast %broadcast_in_dim3A_71 : vector<16xf32> to vector<1x16xf32>
        tpu.vector_store %arg14[%swap3A_260, %swap3A_261], %swap3A_264 {strides = array<i32>} : memref<200x128xf32, #tpu.memory_space<vmem>>, vector<1x16xf32>,
        %swap3A_265 = arith.index_cast %while3A_255 : i32 to index
        %swap3A_266 = arith.constant 32 : index
        %swap3A_267 = tpu.vector_load %arg14[%swap3A_265, %swap3A_266] {strides = array<i32>} : memref<200x128xf32, #tpu.memory_space<vmem>>, vector<1x16xf32>,
        %swap3A_268 = vector.shape_cast %swap3A_267 : vector<1x16xf32> to vector<16xf32>
        %swap3A_269 = vector.shape_cast %broadcast_in_dim3A_71 : vector<16xf32> to vector<1x16xf32>
        tpu.vector_store %arg14[%swap3A_265, %swap3A_266], %swap3A_269 {strides = array<i32>} : memref<200x128xf32, #tpu.memory_space<vmem>>, vector<1x16xf32>,
        %swap3A_270 = arith.index_cast %while3A_255 : i32 to index
        %swap3A_271 = arith.constant 48 : index
        %swap3A_272 = tpu.vector_load %arg14[%swap3A_270, %swap3A_271] {strides = array<i32>} : memref<200x128xf32, #tpu.memory_space<vmem>>, vector<1x16xf32>,
        %swap3A_273 = vector.shape_cast %swap3A_272 : vector<1x16xf32> to vector<16xf32>
        %swap3A_274 = vector.shape_cast %broadcast_in_dim3A_71 : vector<16xf32> to vector<1x16xf32>
        tpu.vector_store %arg14[%swap3A_270, %swap3A_271], %swap3A_274 {strides = array<i32>} : memref<200x128xf32, #tpu.memory_space<vmem>>, vector<1x16xf32>,
        %swap3A_275 = arith.index_cast %while3A_255 : i32 to index
        %swap3A_276 = arith.constant 64 : index
        %swap3A_277 = tpu.vector_load %arg14[%swap3A_275, %swap3A_276] {strides = array<i32>} : memref<200x128xf32, #tpu.memory_space<vmem>>, vector<1x16xf32>,
        %swap3A_278 = vector.shape_cast %swap3A_277 : vector<1x16xf32> to vector<16xf32>
        %swap3A_279 = vector.shape_cast %broadcast_in_dim3A_71 : vector<16xf32> to vector<1x16xf32>
        tpu.vector_store %arg14[%swap3A_275, %swap3A_276], %swap3A_279 {strides = array<i32>} : memref<200x128xf32, #tpu.memory_space<vmem>>, vector<1x16xf32>,
        %swap3A_280 = arith.index_cast %while3A_255 : i32 to index
        %swap3A_281 = arith.constant 80 : index
        %swap3A_282 = tpu.vector_load %arg14[%swap3A_280, %swap3A_281] {strides = array<i32>} : memref<200x128xf32, #tpu.memory_space<vmem>>, vector<1x16xf32>,
        %swap3A_283 = vector.shape_cast %swap3A_282 : vector<1x16xf32> to vector<16xf32>
        %swap3A_284 = vector.shape_cast %broadcast_in_dim3A_71 : vector<16xf32> to vector<1x16xf32>
        tpu.vector_store %arg14[%swap3A_280, %swap3A_281], %swap3A_284 {strides = array<i32>} : memref<200x128xf32, #tpu.memory_space<vmem>>, vector<1x16xf32>,
        %swap3A_285 = arith.index_cast %while3A_255 : i32 to index
        %swap3A_286 = arith.constant 96 : index
        %swap3A_287 = tpu.vector_load %arg14[%swap3A_285, %swap3A_286] {strides = array<i32>} : memref<200x128xf32, #tpu.memory_space<vmem>>, vector<1x16xf32>,
        %swap3A_288 = vector.shape_cast %swap3A_287 : vector<1x16xf32> to vector<16xf32>
        %swap3A_289 = vector.shape_cast %broadcast_in_dim3A_71 : vector<16xf32> to vector<1x16xf32>
        tpu.vector_store %arg14[%swap3A_285, %swap3A_286], %swap3A_289 {strides = array<i32>} : memref<200x128xf32, #tpu.memory_space<vmem>>, vector<1x16xf32>,
        %swap3A_290 = arith.index_cast %while3A_255 : i32 to index
        %swap3A_291 = arith.constant 112 : index
        %swap3A_292 = tpu.vector_load %arg14[%swap3A_290, %swap3A_291] {strides = array<i32>} : memref<200x128xf32, #tpu.memory_space<vmem>>, vector<1x16xf32>,
        %swap3A_293 = vector.shape_cast %swap3A_292 : vector<1x16xf32> to vector<16xf32>
        %swap3A_294 = vector.shape_cast %broadcast_in_dim3A_71 : vector<16xf32> to vector<1x16xf32>
        tpu.vector_store %arg14[%swap3A_290, %swap3A_291], %swap3A_294 {strides = array<i32>} : memref<200x128xf32, #tpu.memory_space<vmem>>, vector<1x16xf32>,
      }
      %add3A_246 = arith.addi %mul3A_2, %add3A_184 : i32
      %dma_start3A_247 = arith.constant 0 : i32
      %dma_start3A_248 = arith.constant 0 : i32
      %dma_start3A_249 = tpu.memref_slice %arg6[%add3A_246, %dma_start3A_247, %dma_start3A_248] : memref<4096x200x128xf32, #tpu.memory_space<hbm>> -> memref<1x200x128xf32, #tpu.memory_space<hbm>>
      %dma_start3A_250 = tpu.memref_squeeze %dma_start3A_249 : memref<1x200x128xf32, #tpu.memory_space<hbm>> -> memref<200x128xf32, #tpu.memory_space<hbm>>
      %dma_start3A_251 = arith.constant 0 : i32
      %dma_start3A_252 = arith.constant 0 : i32
      %dma_start3A_253 = tpu.memref_slice %arg6[%add3A_246, %dma_start3A_251, %dma_start3A_252] : memref<4096x200x128xf32, #tpu.memory_space<hbm>> -> memref<1x200x128xf32, #tpu.memory_space<hbm>>
      %dma_start3A_254 = tpu.memref_squeeze %dma_start3A_253 : memref<1x200x128xf32, #tpu.memory_space<hbm>> -> memref<200x128xf32, #tpu.memory_space<hbm>>
      tpu.enqueue_dma source(%arg14 : memref<200x128xf32, #tpu.memory_space<vmem>>) target(%dma_start3A_254 : memref<200x128xf32, #tpu.memory_space<hbm>>) target_semaphore(%arg18 : memref<!tpu.dma_semaphore, #tpu.memory_space<semaphore_mem>>)
      scf.yield %squeeze3A_152, %squeeze3A_222 : i32, i32
    }
    %scan3A_79 = arith.constant 64 : i32
    %add3A_80 = arith.constant 126 : i32
    %add3A_81 = arith.addi %mul3A_2, %add3A_80 : i32
    %dma_wait3A = arith.constant 0 : i32
    %dma_wait3A_82 = arith.constant 0 : i32
    %dma_wait3A_83 = tpu.memref_slice %arg6[%add3A_81, %dma_wait3A, %dma_wait3A_82] : memref<4096x200x128xf32, #tpu.memory_space<hbm>> -> memref<1x200x128xf32, #tpu.memory_space<hbm>>
    %dma_wait3A_84 = tpu.memref_squeeze %dma_wait3A_83 : memref<1x200x128xf32, #tpu.memory_space<hbm>> -> memref<200x128xf32, #tpu.memory_space<hbm>>
    %dma_wait3A_85 = arith.constant 0 : i32
    %dma_wait3A_86 = arith.constant 0 : i32
    %dma_wait3A_87 = tpu.memref_slice %arg6[%add3A_81, %dma_wait3A_85, %dma_wait3A_86] : memref<4096x200x128xf32, #tpu.memory_space<hbm>> -> memref<1x200x128xf32, #tpu.memory_space<hbm>>
    %dma_wait3A_88 = tpu.memref_squeeze %dma_wait3A_87 : memref<1x200x128xf32, #tpu.memory_space<hbm>> -> memref<200x128xf32, #tpu.memory_space<hbm>>
    tpu.wait_dma2 semaphore(%arg17 : memref<!tpu.dma_semaphore, #tpu.memory_space<semaphore_mem>>) src(%arg13 : memref<200x128xf32, #tpu.memory_space<vmem>>) dst(%dma_wait3A_88 : memref<200x128xf32, #tpu.memory_space<hbm>>)
    %add3A_89 = arith.constant 127 : i32
    %add3A_90 = arith.addi %mul3A_2, %add3A_89 : i32
    %dma_wait3A_91 = arith.constant 0 : i32
    %dma_wait3A_92 = arith.constant 0 : i32
    %dma_wait3A_93 = tpu.memref_slice %arg6[%add3A_90, %dma_wait3A_91, %dma_wait3A_92] : memref<4096x200x128xf32, #tpu.memory_space<hbm>> -> memref<1x200x128xf32, #tpu.memory_space<hbm>>
    %dma_wait3A_94 = tpu.memref_squeeze %dma_wait3A_93 : memref<1x200x128xf32, #tpu.memory_space<hbm>> -> memref<200x128xf32, #tpu.memory_space<hbm>>
    %dma_wait3A_95 = arith.constant 0 : i32
    %dma_wait3A_96 = arith.constant 0 : i32
    %dma_wait3A_97 = tpu.memref_slice %arg6[%add3A_90, %dma_wait3A_95, %dma_wait3A_96] : memref<4096x200x128xf32, #tpu.memory_space<hbm>> -> memref<1x200x128xf32, #tpu.memory_space<hbm>>
    %dma_wait3A_98 = tpu.memref_squeeze %dma_wait3A_97 : memref<1x200x128xf32, #tpu.memory_space<hbm>> -> memref<200x128xf32, #tpu.memory_space<hbm>>
    tpu.wait_dma2 semaphore(%arg18 : memref<!tpu.dma_semaphore, #tpu.memory_space<semaphore_mem>>) src(%arg14 : memref<200x128xf32, #tpu.memory_space<vmem>>) dst(%dma_wait3A_98 : memref<200x128xf32, #tpu.memory_space<hbm>>)
    %mul3A_99 = arith.constant 200 : i32
    %mul3A_100 = arith.muli %mul3A_2, %mul3A_99 : i32
    %dma_wait3A_101 = arith.constant 0 : i32
    %dma_wait3A_102 = tpu.memref_slice %arg11[%dma_wait3A_101] : memref<25616xf32, #tpu.memory_space<vmem>> -> memref<25600xf32, #tpu.memory_space<vmem>>
    %dma_wait3A_103 = tpu.memref_slice %arg7[%mul3A_100] : memref<819200xf32, #tpu.memory_space<hbm>> -> memref<25600xf32, #tpu.memory_space<hbm>>
    %dma_wait3A_104 = tpu.memref_slice %arg7[%mul3A_100] : memref<819200xf32, #tpu.memory_space<hbm>> -> memref<25600xf32, #tpu.memory_space<hbm>>
    %dma_wait3A_105 = arith.constant 0 : i32
    %dma_wait3A_106 = tpu.memref_slice %arg11[%dma_wait3A_105] : memref<25616xf32, #tpu.memory_space<vmem>> -> memref<25600xf32, #tpu.memory_space<vmem>>
    tpu.wait_dma2 semaphore(%arg19 : memref<!tpu.dma_semaphore, #tpu.memory_space<semaphore_mem>>) src(%dma_wait3A_106 : memref<25600xf32, #tpu.memory_space<vmem>>) dst(%dma_wait3A_104 : memref<25600xf32, #tpu.memory_space<hbm>>)
    %mul3A_107 = arith.constant 64 : i32
    %mul3A_108 = arith.muli %mul3A_2, %mul3A_107 : i32
    %dma_wait3A_109 = tpu.memref_slice %arg8[%mul3A_108] : memref<262144xf32, #tpu.memory_space<hbm>> -> memref<8192xf32, #tpu.memory_space<hbm>>
    %dma_wait3A_110 = tpu.memref_slice %arg8[%mul3A_108] : memref<262144xf32, #tpu.memory_space<hbm>> -> memref<8192xf32, #tpu.memory_space<hbm>>
    tpu.wait_dma2 semaphore(%arg19 : memref<!tpu.dma_semaphore, #tpu.memory_space<semaphore_mem>>) src(%arg12 : memref<8192xf32, #tpu.memory_space<vmem>>) dst(%dma_wait3A_110 : memref<8192xf32, #tpu.memory_space<hbm>>)
    return
  }
}

</mosaic_0001>

<sc_bundles>
// kernel: kernel.3.cloned.1.call-start
scs
__scs_entry_jumppad:
0x0: {  	(pc) =	sbr.rel $0x88, $3  }
0x1: {  	(tag) =	ssettag $0x0;
	lr =	simm.s32 $0x1  }
0x2: {  	[smem:$0x3F9D] =	sst lr;
	_ =	strace $0xD0000000  }
0x3: {  	_ = 	snop  }
0x4: {  	_ = 	snop  }
0x5: {  	_ = 	snop  }
0x6: {  	_ = 	snop  }
0x7: {  	_ = 	snop  }
__scs_overlays_trampoline_lowered:
0x8: {  	[smem:$0x3FAC] =	sst s0  }
0x9: {  	[smem:$0x3FAD] =	sst s1  }
0xa: {  	[smem:$0x3FAE] =	sst s2  }
0xb: {  	[smem:$0x3FAF] =	sst s3  }
0xc: {  	[smem:$0x3FB0] =	sst s4  }
0xd: {  	[smem:$0x3FB1] =	sst s5  }
0xe: {  	[smem:$0x3FB2] =	sst s6  }
0xf: {  	[smem:$0x3FB3] =	sst s7  }
0x10: {  	[smem:$0x3FB4] =	sst s8  }
0x11: {  	[smem:$0x3FB5] =	sst s9;
	s0 =	simm.s32 @!p0 $0x0  }
0x12: {  	s1 =	sld [smem:$0x3F9B];
	s0 =	simm.s32 @p0 $0x1  }
0x13: {  	[smem:$0x3FB6] =	sst s0;
	s0 =	simm.s32 @!p1 $0x0  }
0x14: {  	s2 =	sld [smem:$0x3F9A];
	s0 =	simm.s32 @p1 $0x1  }
0x15: {  	[smem:$0x3FB7] =	sst s0;
	s0 =	simm.s32 @!p2 $0x0  }
0x16: {  	s3 =	sld [smem:$0x3FDB];
	s0 =	simm.s32 @p2 $0x1  }
0x17: {  	s4 =	simm.s32 $0x1BF5;
	[smem:$0x3FB9] =	sst s0  }
0x18: {  	s0 =	sld [smem:$0x3F9C];
	_ =	swait.ge [sflag:s4], $0x0  }
0x19: {  	s7 =	sld [smem:$0x3F9D]  }
0x1a: {  	s8 =	sadd.s32 $0xFFFFE003, lr  }
0x1b: {  	s9 =	sadd.s32 $0xFFFFFEF7, lr;
	s5 =	simm.s32 $0xFFFFFFFF;
	p2 =	slt.u32 s8, $0xFFFFF086  }
0x1c: {  	p1 =	slt.u32 s9, $0xF7A;
	s5 =	simm.s32 @!p2 $0x0  }
0x1d: {  	s5 =	simm.s32 @p1 $0x1;
	p0 =	seq.s32 s7, s2  }
0x1e: {  	s7 =	smul.u32 @!p0 $0xF7A, s2;
	p2 =	seq.s32 @!p0 s5, $0x0  }
0x1f: {  	s9 =	smul.u32 $0xF7A, s1;
	s8 =	simm.s32 @!p0 $0x1BF5;
	p2 =	por !p2, p0  }
0x20: {  	[sflag:s8] =	ssyncset.s32 @!p0 $0xFFFFF086;
	s6 =	sadd.s32 @!p0 s3, s7;
	s7 =	simm.s32 @!p0 $0x108  }
0x21: {  	s3 =	sadd.s32 s3, s9;
	s6 =	sadd.s32 @!p0 $0x88, s6;
	s7 =	simm.s32 @p2 $0x1082  }
0x22: {  	[simem:s7], [sflag:s8] =	dma.local @!p0 [hbm:s6], $0xF7A  }
0x23: {  	s9 =	sor.u32 $0xD0000000, s2;
	s6 =	simm.s32 $0x108;
	_ =	swait.ge @!p0 [sflag:s8], $0x0  }
0x24: {  	s3 =	sadd.s32 $0x88, s3;
	s6 =	simm.s32 @!p1 $0x1082;
	[sflag:s4] =	ssyncset.s32 $0xFFFFF086  }
0x25: {  	[simem:s6], [sflag:s4] =	dma.local [hbm:s3], $0xF7A  }
0x26: {  	[smem:$0x3F9D] =	sst s1;
	(tag) =	ssettag s2;
	_ =	strace s9  }
0x27: {  	s1 =	sld [smem:$0x3FAD]  }
0x28: {  	s2 =	sld [smem:$0x3FAE]  }
0x29: {  	s4 =	sld [smem:$0x3FB0]  }
0x2a: {  	p0 =	seq.s32 s5, $0x0;
	s5 =	sld [smem:$0x3FB1]  }
0x2b: {  	s6 =	sld [smem:$0x3FB2]  }
0x2c: {  	s7 =	sld [smem:$0x3FB3]  }
0x2d: {  	s3 =	simm.s32 $0x108;
	s8 =	sld [smem:$0x3FB4]  }
0x2e: {  	s3 =	simm.s32 @!p0 $0x1082;
	s9 =	sld [smem:$0x3FB5]  }
0x2f: {  	lr =	sadd.s32 s0, s3;
	s0 =	sld [smem:$0x3FAC]  }
0x30: {  	s3 =	sld [smem:$0x3FAF]  }
0x31: {  	[smem:$0x3FB8] =	sst s10  }
0x32: {  	s10 =	sld [smem:$0x3FB6];
	_ =	sdelay $0x3  }
0x33: {  	p0 =	seq.s32 s10, $0x1;
	s10 =	sld [smem:$0x3FB8];
	_ =	sdelay $0x3  }
0x34: {  	[smem:$0x3FB8] =	sst s10  }
0x35: {  	s10 =	sld [smem:$0x3FB7];
	_ =	sdelay $0x3  }
0x36: {  	p1 =	seq.s32 s10, $0x1;
	s10 =	sld [smem:$0x3FB8];
	_ =	sdelay $0x3  }
0x37: {  	[smem:$0x3FB8] =	sst s10  }
0x38: {  	s10 =	sld [smem:$0x3FB9]  }
0x39: {  	_ = 	snop;
	(pc) =	sbr.ind lr, $3  }
0x3a: {  	_ = 	snop  }
0x3b: {  	_ = 	snop  }
0x3c: {  	p2 =	seq.s32 s10, $0x1;
	s10 =	sld [smem:$0x3FB8]  }
0x3d: {  	_ =	shalt  }
0x3e: {  	_ =	shalt  }
0x3f: {  	_ =	shalt  }
0x40: {  	_ =	shalt  }
0x41: {  	_ =	shalt  }
0x42: {  	_ =	shalt  }
0x43: {  	_ =	shalt  }
0x44: {  	_ =	shalt  }
0x45: {  	_ =	shalt  }
0x46: {  	_ =	shalt  }
0x47: {  	_ =	shalt  }
0x48: {  	_ =	shalt  }
0x49: {  	_ =	shalt  }
0x4a: {  	_ =	shalt  }
0x4b: {  	_ =	shalt  }
0x4c: {  	_ =	shalt  }
0x4d: {  	_ =	shalt  }
0x4e: {  	_ =	shalt  }
0x4f: {  	_ =	shalt  }
0x50: {  	_ =	shalt  }
0x51: {  	_ =	shalt  }
0x52: {  	_ =	shalt  }
0x53: {  	_ =	shalt  }
0x54: {  	_ =	shalt  }
0x55: {  	_ =	shalt  }
0x56: {  	_ =	shalt  }
0x57: {  	_ =	shalt  }
0x58: {  	_ =	shalt  }
0x59: {  	_ =	shalt  }
0x5a: {  	_ =	shalt  }
0x5b: {  	_ =	shalt  }
0x5c: {  	_ =	shalt  }
0x5d: {  	_ =	shalt  }
0x5e: {  	_ =	shalt  }
0x5f: {  	_ =	shalt  }
0x60: {  	_ =	shalt  }
0x61: {  	_ =	shalt  }
0x62: {  	_ =	shalt  }
0x63: {  	_ =	shalt  }
0x64: {  	_ =	shalt  }
0x65: {  	_ =	shalt  }
0x66: {  	_ =	shalt  }
0x67: {  	_ =	shalt  }
0x68: {  	_ =	shalt  }
0x69: {  	_ =	shalt  }
0x6a: {  	_ =	shalt  }
0x6b: {  	_ =	shalt  }
0x6c: {  	_ =	shalt  }
0x6d: {  	_ =	shalt  }
0x6e: {  	_ =	shalt  }
0x6f: {  	_ =	shalt  }
0x70: {  	_ =	shalt  }
0x71: {  	_ =	shalt  }
0x72: {  	_ =	shalt  }
0x73: {  	_ =	shalt  }
0x74: {  	_ =	shalt  }
0x75: {  	_ =	shalt  }
0x76: {  	_ =	shalt  }
0x77: {  	_ =	shalt  }
0x78: {  	_ =	shalt  }
0x79: {  	_ =	shalt  }
0x7a: {  	_ =	shalt  }
0x7b: {  	_ =	shalt  }
0x7c: {  	_ =	shalt  }
0x7d: {  	_ =	shalt  }
0x7e: {  	_ =	shalt  }
0x7f: {  	_ =	shalt  }
0x80: {  	_ =	shalt  }
0x81: {  	_ =	shalt  }
0x82: {  	_ =	shalt  }
0x83: {  	_ =	shalt  }
0x84: {  	_ =	shalt  }
0x85: {  	_ =	shalt  }
0x86: {  	_ =	shalt  }
0x87: {  	_ =	shalt  }
.Lfunc_end0:
.L_simem_size_0:
called_computation_lowered:
.L_overlay_start_0:
0x88: {  	s2 =	sld [smem:$0x3FD9]  }
0x89: {  	s3 =	sld [smem:$0x3FFE];
	_ =	sdelay $0x1  }
0x8a: {  	s1 =	srdreg.scid  }
0x8b: {  	s0 =	sand.u32 $0x1, s1  }
0x8c: {  	s14 =	sshll.u32 s0, $0xA;
	s2 =	sadd.s32 s3, s2  }
0x8d: {  	s2 =	sadd.s32 s2, s14  }
0x8e: {  	[smem:$0x3FC4] =	sst s2  }
0x8f: {  	_ = 	snop  }
0x90: {  	s2 =	sld [smem:$0x3FD0];
	_ =	sdelay $0x1  }
0x91: {  	s15 =	sld [smem:$0x3FC9]  }
0x92: {  	s5 =	simm.s32 $0xA;
	s6 =	simm.s32 $0x10;
	s4 =	sld [smem:$0x3FC6]  }
0x93: {  	[smem:s6], [sflag:s5] =	dma.local [hbm:s2], $0x1  }
0x94: {  	_ =	swait.eq [sflag:s5], $0x1  }
0x95: {  	s16 =	sld [smem:$0x10];
	[sflag:s5] =	ssyncset.done $0x0  }
0x96: {  	s17 =	sld [smem:$0x11];
	[sflag:s5] =	ssyncadd.s32 $0xFFFFFFFF  }
0x97: {  	s18 =	sld [smem:$0x12];
	(tm) =	ssettm $0x1  }
0x98: {  	s7 =	sld [smem:$0x3FFB];
	_ =	sdelay $0x3  }
0x99: {  	_ =	strace s7  }
0x9a: {  	s7 =	sld [smem:$0x3FFC];
	_ =	sdelay $0x3  }
0x9b: {  	_ =	strace s7  }
0x9c: {  	s7 =	sld [smem:$0x3FFD];
	_ =	sdelay $0x3  }
0x9d: {  	_ =	strace s7  }
0x9e: {  	_ =	strace $0x8FFFFFFF  }
0x9f: {  	s19 =	sld [smem:$0x3FDB];
	_ =	sdelay $0x1  }
0xa0: {  	s8 =	simm.s32 $_scs_section_size  }
0xa1: {  	s9 =	simm.s32 $_size__tile_overlayer_lowered;
	s10 =	simm.s32 $_tile_overlayer_lowered  }
0xa2: {  	s22 =	simm.s32 $0x1BFF;
	s21 =	sshll.u32 s10, $0x1;
	s7 =	sadd.s32 s8, s19  }
0xa3: {  	s11 =	simm.s32 $0x0;
	s20 =	sshll.u32 s9, $0x1;
	s9 =	sadd.s32 s21, s7  }
0xa4: {  	[timem:s11], [sflag:s22] =	dma.local [hbm:s9], s20  }
0xa5: {  	_ =	swait.ge [sflag:s22], s20  }
0xa6: {  	s8 =	ssub.s32 $0x0, s20;
	[sflag:s22] =	ssyncset.done $0x0  }
0xa7: {  	[sflag:s22] =	ssyncadd.s32 s8;
	_ =	sdelay $0x1  }
0xa8: {  	s23 =	simm.s32 $0x1B8B  }
0xa9: {  	_ =	swait.ge [sflag:s23], $0x1  }
0xaa: {  	[sflag:s23] =	ssyncset.done $0x0  }
0xab: {  	s25 =	simm.s32 $0x1B8E;
	s24 =	sld [smem:$0x3FFE];
	[sflag:s23] =	ssyncadd.s32 $0xFFFFFFFF  }
0xac: {  	s26 =	simm.s32 $execute0_lowered;
	[smem:$0x3FD2] =	sst s25  }
0xad: {  	s9 =	sshll.u32 s26, $0x1;
	_ =	strace $0x80000046;
	[dreg:$0x1] =	wrdreg $0xFFFFFFFF  }
0xae: {  	s28 =	simm.s32 $_size_execute0_lowered;
	s7 =	sadd.s32 s7, s9;
	[dreg:$0x0] =	wrdreg $0x0  }
0xaf: {  	s9 =	sshll.u32 s28, $0x1;
	[dreg:$0x2] =	wrdreg s7  }
0xb0: {  	[dreg:$0x3] =	wrdreg s9  }
0xb1: {  	[dreg:$0x4] =	wrdreg $0xC0  }
0xb2: {  	_ =	task [dreg:s11], $0x5FFFF  }
0xb3: {  	[dreg:$0x1] =	wrdreg $0xFFFFFFFF  }
0xb4: {  	[dreg:$0x0] =	wrdreg $0x60  }
0xb5: {  	[dreg:$0x2] =	wrdreg s15  }
0xb6: {  	[dreg:$0x3] =	wrdreg s24  }
0xb7: {  	[dreg:$0x4] =	wrdreg s4  }
0xb8: {  	[dreg:$0x5] =	wrdreg s18  }
0xb9: {  	[dreg:$0x6] =	wrdreg s16  }
0xba: {  	[dreg:$0x7] =	wrdreg s17  }
0xbb: {  	[dreg:$0x8] =	wrdreg $0x9  }
0xbc: {  	_ =	task.clear_ibuf [dreg:s11], $0x9FFFF;
	_ =	strace $0x90000046  }
0xbd: {  	s29 =	simm.s32 $0x9;
	_ =	strace $0x80000048  }
0xbe: {  	_ =	swait.ge [sflag:s29], $0x1  }
0xbf: {  	[sflag:s29] =	ssyncadd.s32 $0xFFFFFFFF  }
0xc0: {  	_ =	strace $0x90000048  }
0xc1: {  	_ =	sfence  }
0xc2: {  	s30 =	sld [smem:$0x0];
	_ =	sdelay $0x2  }
0xc3: {  	s31 =	sshll.u32 s1, $0xD;
	s1 =	sshrl.u32 s1, $0x2  }
0xc4: {  	s3 =	sand.u32 $0x4000, s31;
	s1 =	sadd.s32 s1, s30  }
0xc5: {  	s0 =	sor.u32 s3, s0;
	s1 =	sshll.u32 s1, $0x11  }
0xc6: {  	s0 =	sor.u32 s1, s0  }
0xc7: {  	s0 =	sadd.s32 $0x8F2B, s0  }
0xc8: {  	[sflag:s0] =	ssyncadd.remote.s32 $0x1  }
0xc9: {  	_ =	sfence.sel $0xFFFF  }
0xca: {  	[dreg:$0x0] =	wrdreg $0xFFFFFFFF;
	(pc) =	sbr.abs _section_cstart, $3  }
0xcb: {  	[dreg:$0x1] =	wrdreg $0xFFFFFFFF  }
0xcc: {  	_ =	task.clear_ibuf [dreg:s11], $0x2FFFF;
	_ =	strace $0x9FFFFFFF  }
0xcd: {  	(tm) =	ssettm $0x7FFFFFFF  }
tec
execute0_lowered:
.L_overlay_start_1:
0x0: {  	(tag) =	ssettag $0x1  }
0x1: {  	s1 =	rddreg [dreg:$0x0]  }
0x2: {  	s5 =	rddreg [dreg:$0x1]  }
0x3: {  	s7 =	rddreg [dreg:$0x2]  }
0x4: {  	s8 =	rddreg [dreg:$0x3]  }
0x5: {  	s3 =	rddreg [dreg:$0x4]  }
0x6: {  	s9 =	rddreg [dreg:$0x5]  }
0x7: {  	s6 =	srdreg.scid;
	s2 =	stileid.u32  }
0x8: {  	s4 =	simm.s32 $0x0;
	s16 =	simm.s32 $0x10580;
	s17 =	simm.s32 $0x16980  }
0x9: {  	s18 =	simm.s32 $0x3;
	s19 =	simm.s32 $0x4;
	s20 =	simm.s32 $0x5  }
0xa: {  	s6 =	sand.u32 $0x1, s6;
	s10 =	sshll.u32 s2, $0x1;
	[smem:$0x7FF] =	sst s4  }
0xb: {  	s21 =	simm.s32 $0x0;
	s10 =	sor.u32 s6, s10;
	_ =	strace $0x80000047  }
0xc: {  	s6 =	ssub.s32 $0x2, s6;
	s11 =	sshll.u32 s10, $0xC;
	s12 =	sshll.u32 s10, $0xA  }
0xd: {  	s13 =	sshrl.u32 s6, $0x1;
	s15 =	smul.u32 $0xC80, s10;
	s11 =	sadd.s32 s11, s5  }
.Ltmp0:
0xe: {  	v0 =	vlaneseq.u32;
	v1 =	vimm.f32 $0.0e+00;
	s14 =	sadd.s32 s12, s5;
	s13 =	ssub.s32 s6, s13;
	(pc) =	sbr.rel .LBB2_1-.Ltmp0, $4  }
0xf: {  	v2 =	vor.u32 $0x10, v0;
	v3 =	vor.u32 $0x20, v0;
	v4 =	vor.u32 $0x30, v0;
	s5 =	sshll.u32 s10, $0x7;
	s10 =	sshll.u32 s10, $0x4;
	s8 =	sadd.s32 s8, s12  }
0x10: {  	v5 =	vor.u32 $0x40, v0;
	v6 =	vor.u32 $0x50, v0;
	v7 =	vor.u32 $0x60, v0;
	s12 =	simm.s32 $0x6;
	s6 =	sadd.s32 $0xC00, s11;
	s7 =	sadd.s32 s7, s10  }
0x11: {  	v8 =	vor.u32 $0x70, v0;
	v9 =	vor.u32 $0x80, v0;
	v10 =	vor.u32 $0x90, v0;
	s9 =	sadd.s32 s9, s15;
	s10 =	sadd.s32 $0x20C00, s14;
	s11 =	smax.u32 s13, $0x1  }
0x12: {  	v11 =	vor.u32 $0xA0, v0;
	v12 =	vor.u32 $0xB0, v0;
	v13 =	vor.u32 $0xC0, v0;
	s13 =	simm.s32 $0x8000;
	s14 =	simm.s32 $0xE580;
	s15 =	simm.s32 $0x8100  }
.LBB2_15:
0x13: {  	_ =	swait.ge [sflag:s18], $0x6400  }
0x14: {  	[sflag:s18] =	ssyncset.done $0x0  }
0x15: {  	[sflag:s18] =	ssyncadd.s32 $0xFFFF9C00  }
0x16: {  	_ =	swait.ge [sflag:s19], $0x6400  }
0x17: {  	[sflag:s19] =	ssyncset.done $0x0  }
0x18: {  	s21 =	sadd.s32 $0x1, s21;
	[sflag:s19] =	ssyncadd.s32 $0xFFFF9C00  }
0x19: {  	p0 =	sne.s32 s21, s11;
	_ =	swait.ge [sflag:s20], $0x6400  }
.Ltmp1:
0x1a: {  	[sflag:s20] =	ssyncset.done $0x0;
	(pc) =	sbr.rel @!p0 .LBB2_16-.Ltmp1, $4  }
0x1b: {  	[sflag:s20] =	ssyncadd.s32 $0xFFFF9C00  }
0x1c: {  	_ =	swait.ge [sflag:s20], $0x2000  }
0x1d: {  	[sflag:s20] =	ssyncset.done $0x0  }
0x1e: {  	[sflag:s20] =	ssyncadd.s32 $0xFFFFE000  }
.LBB2_1:
0x1f: {  	[tilespmem:s4], [sflag:$0x6] =	stream.linear.gather [hbm4b:s6+s4], $0x8000, $0x38;
	[tilespmem:$0x1CD80] =	vst v63  }
0x20: {  	_ =	swait.ge [sflag:s12], $0x8000  }
0x21: {  	[sflag:s12] =	ssyncset.done $0x0  }
0x22: {  	[sflag:s12] =	ssyncadd.s32 $0xFFFF8000  }
0x23: {  	[tilespmem:s13], [sflag:$0x6] =	stream.linear.gather [hbm4b:s7+s4], $0x80, $0x38;
	[tilespmem:$0x1CD80] =	vst v63  }
0x24: {  	_ =	swait.ge [sflag:s12], $0x80  }
0x25: {  	[sflag:s12] =	ssyncset.done $0x0  }
0x26: {  	[sflag:s12] =	ssyncadd.s32 $0xFFFFFF80  }
0x27: {  	[tilespmem:s14], [sflag:$0x6] =	stream.linear.gather [hbm4b:s8+s4], $0x2000, $0x38;
	[tilespmem:$0x1CD80] =	vst v63  }
0x28: {  	_ =	swait.ge [sflag:s12], $0x2000  }
0x29: {  	[sflag:s12] =	ssyncset.done $0x0  }
0x2a: {  	[sflag:s12] =	ssyncadd.s32 $0xFFFFE000  }
0x2b: {  	v14 =	vld [tilespmem:$0x8000];
	_ =	sdelay $0x4  }
0x2c: {  	(v2sf) =	vpush v14, $0x0;
	_ =	sdelay $0xe  }
0x2d: {  	s22 =	spop (v2sf)  }
0x2e: {  	p0 =	slt.s32 s22, $0x1  }
0x2f: {  	s23 =	simm.s32 @!p0 $0x40  }
0x30: {  	s24 =	simm.s32 @!p0 $0x0;
	s25 =	simm.s32 @!p0 $0x10580;
	p1 =	slt.u32 @!p0 s22, $0x41  }
0x31: {  	[tilespmem:s25], [sflag:$0x1] =	stream.indirect.gather @!p0 [hbm4b:s1+s23], $0x80, s24, s23, $0xb8;
	[tilespmem:$0x1CD80] =	vst v63  }
0x32: {  	p2 =	por p1, p0  }
0x33: {  	s23 =	simm.s32 @!p2 $0x40;
	s24 =	simm.s32 @!p2 $0x12580;
	p3 =	slt.u32 @!p2 s22, $0x81  }
0x34: {  	[tilespmem:s24], [sflag:$0x1] =	stream.indirect.gather @!p2 [hbm4b:s1+s23], $0x80, s23, s23, $0xb8;
	[tilespmem:$0x1CD80] =	vst v63  }
0x35: {  	p4 =	por @!p0 p3, p1  }
0x36: {  	p4 =	por p4, p0  }
0x37: {  	s23 =	simm.s32 @!p4 $0x28;
	s24 =	simm.s32 @!p4 $0x400;
	s25 =	simm.s32 @!p4 $0x14580  }
0x38: {  	[tilespmem:s25], [sflag:$0x1] =	stream.indirect.gather @!p4 [hbm4b:s1+s23], $0x80, s24, s23, $0xb8;
	[tilespmem:$0x1CD80] =	vst v63  }
0x39: {  	p4 =	slt.u32 @!p4 s22, $0xA9  }
0x3a: {  	p2 =	por @!p2 p4, p3  }
0x3b: {  	p1 =	por @!p0 p2, p1  }
0x3c: {  	p0 =	por p1, p0  }
0x3d: {  	s22 =	simm.s32 @!p0 $0x20;
	s23 =	simm.s32 @!p0 $0x428;
	s24 =	simm.s32 @!p0 $0x15980  }
0x3e: {  	[tilespmem:s24], [sflag:$0x1] =	stream.indirect.gather @!p0 [hbm4b:s1+s22], $0x80, s23, s22, $0xb8;
	[tilespmem:$0x1CD80] =	vst v63  }
0x3f: {  	v14 =	vld [tilespmem:$0x8001];
	_ =	sdelay $0x4  }
0x40: {  	(v2sf) =	vpush v14, $0x0;
	_ =	sdelay $0xe  }
0x41: {  	s22 =	spop (v2sf)  }
0x42: {  	p0 =	slt.s32 s22, $0x1  }
0x43: {  	s23 =	simm.s32 @!p0 $0x40  }
0x44: {  	s24 =	simm.s32 @!p0 $0x80;
	s25 =	simm.s32 @!p0 $0x16980;
	p1 =	slt.u32 @!p0 s22, $0x41  }
0x45: {  	[tilespmem:s25], [sflag:$0x2] =	stream.indirect.gather @!p0 [hbm4b:s1+s23], $0x80, s24, s23, $0xb8;
	[tilespmem:$0x1CD80] =	vst v63  }
0x46: {  	p2 =	por p1, p0  }
0x47: {  	s23 =	simm.s32 @!p2 $0x40  }
0x48: {  	s24 =	simm.s32 @!p2 $0xC0;
	s25 =	simm.s32 @!p2 $0x18980;
	p3 =	slt.u32 @!p2 s22, $0x81  }
0x49: {  	[tilespmem:s25], [sflag:$0x2] =	stream.indirect.gather @!p2 [hbm4b:s1+s23], $0x80, s24, s23, $0xb8;
	[tilespmem:$0x1CD80] =	vst v63  }
0x4a: {  	p4 =	por @!p0 p3, p1  }
0x4b: {  	p4 =	por p4, p0  }
0x4c: {  	s23 =	simm.s32 @!p4 $0x28;
	s24 =	simm.s32 @!p4 $0x480;
	s25 =	simm.s32 @!p4 $0x1A980  }
0x4d: {  	[tilespmem:s25], [sflag:$0x2] =	stream.indirect.gather @!p4 [hbm4b:s1+s23], $0x80, s24, s23, $0xb8;
	[tilespmem:$0x1CD80] =	vst v63  }
0x4e: {  	p4 =	slt.u32 @!p4 s22, $0xA9  }
0x4f: {  	p2 =	por @!p2 p4, p3  }
0x50: {  	p1 =	por @!p0 p2, p1  }
0x51: {  	s31 =	sand.u32 $0x70, s4;
	p0 =	por p1, p0  }
0x52: {  	s22 =	simm.s32 @!p0 $0x20;
	s23 =	simm.s32 @!p0 $0x4A8;
	s24 =	simm.s32 @!p0 $0x1BD80  }
0x53: {  	[tilespmem:s24], [sflag:$0x2] =	stream.indirect.gather @!p0 [hbm4b:s1+s22], $0x80, s23, s22, $0xb8;
	[tilespmem:$0x1CD80] =	vst v63  }
0x54: {  	v14 =	vld [tilespmem:s31+$0x8000];
	_ =	sdelay $0x3  }
0x55: {  	v15 =	vmov s4  }
0x56: {  	v14 =	vperm.xlane v14, v15;
	_ =	sdelay $0x1  }
0x57: {  	vm0 =	vgt.s32 v14, v0;
	vm1 =	vgt.s32 v14, v2;
	vm2 =	vgt.s32 v14, v8  }
0x58: {  	s22 =	simm.s32 $0x8160;
	v15 =	vsel vm0, $0x3F800000, v1;
	v16 =	vsel vm1, $0x3F800000, v1;
	vm0 =	vgt.s32 v14, v4  }
0x59: {  	s26 =	simm.s32 $0x8160;
	vm1 =	vgt.s32 v14, v3;
	[tilespmem:s22+$0xFFFFFFA0] =	vst v15;
	v17 =	vsel vm0, $0x3F800000, v1;
	v15 =	vsel vm2, $0x3F800000, v1  }
0x5a: {  	s25 =	simm.s32 $0x0;
	s24 =	simm.s32 $0x1;
	s23 =	simm.s32 $0x0;
	[tilespmem:s22+$0xFFFFFFB0] =	vst v16;
	v16 =	vsel vm1, $0x3F800000, v1;
	vm0 =	vgt.s32 v14, v5;
	vm1 =	vgt.s32 v14, v6  }
.LBB2_2:
0x5b: {  	p0 =	sne.s32 s24, $0x7F;
	[tilespmem:s22+$0xFFFFFFD0] =	vst v17;
	v17 =	vsel vm0, $0x3F800000, v1;
	v18 =	vsel vm1, $0x3F800000, v1;
	vm0 =	vgt.s32 v14, v7;
	s25 =	sadd.s32 $0xC8, s25;
	s26 =	sadd.s32 $0xC8, s26  }
0x5c: {  	vm1 =	vgt.s32 v14, v10;
	s28 =	smov.u32 s24;
	s24 =	sadd.s32 $0x1, s24;
	[tilespmem:s22+$0xFFFFFFC0] =	vst v16;
	v16 =	vsel vm0, $0x3F800000, v1;
	vm0 =	vgt.s32 v14, v9  }
0x5d: {  	vm2 =	vgt.s32 v14, v11;
	vm3 =	vgt.s32 v14, v12;
	vm4 =	vgt.s32 v14, v13;
	[tilespmem:s22+$0x10] =	vst v15  }
0x5e: {  	[tilespmem:s22+$0x0] =	vst v16  }
0x5f: {  	[tilespmem:s22+$0xFFFFFFF0] =	vst v18  }
0x60: {  	s29 =	sand.u32 $0x7FF8, s23;
	s23 =	smov.u32 s25;
	v14 =	vsel vm0, $0x3F800000, v1;
	[tilespmem:s22+$0xFFFFFFE0] =	vst v17  }
0x61: {  	[tilespmem:s29+$0x8180] =	vst v14;
	v14 =	vsel vm1, $0x3F800000, v1  }
0x62: {  	[tilespmem:s22+$0x30] =	vst v14;
	v14 =	vsel vm4, $0x3F800000, v1  }
0x63: {  	v15 =	vsel vm2, $0x3F800000, v1;
	v16 =	vsel vm3, $0x3F800000, v1;
	[tilespmem:s22+$0x60] =	vst v14  }
0x64: {  	[tilespmem:s22+$0x50] =	vst v16  }
0x65: {  	s29 =	sand.u32 $0x70, s28;
	[tilespmem:s22+$0x40] =	vst v15;
	s22 =	smov.u32 s26  }
0x66: {  	v14 =	vld [tilespmem:s29+$0x8000];
	_ =	sdelay $0x3  }
0x67: {  	v15 =	vmov s28  }
0x68: {  	v14 =	vperm.xlane v14, v15  }
.Ltmp2:
0x69: {  	(pc) =	sbr.rel @p0 .LBB2_2-.Ltmp2, $4  }
0x6a: {  	vm0 =	vgt.s32 v14, v0;
	vm1 =	vgt.s32 v14, v2;
	vm2 =	vgt.s32 v14, v8  }
0x6b: {  	v15 =	vsel vm0, $0x3F800000, v1;
	v16 =	vsel vm1, $0x3F800000, v1;
	vm0 =	vgt.s32 v14, v4  }
0x6c: {  	vm1 =	vgt.s32 v14, v3;
	[tilespmem:s26+$0xFFFFFFA0] =	vst v15;
	v17 =	vsel vm0, $0x3F800000, v1;
	v15 =	vsel vm2, $0x3F800000, v1  }
0x6d: {  	vm0 =	vgt.s32 v14, v5;
	[tilespmem:s26+$0xFFFFFFB0] =	vst v16;
	v16 =	vsel vm1, $0x3F800000, v1;
	vm1 =	vgt.s32 v14, v6  }
0x6e: {  	[tilespmem:s22+$0xFFFFFFD0] =	vst v17  }
0x6f: {  	[tilespmem:s22+$0xFFFFFFC0] =	vst v16  }
0x70: {  	[tilespmem:s22+$0x10] =	vst v15;
	v15 =	vsel vm1, $0x3F800000, v1  }
0x71: {  	vm2 =	vgt.s32 v14, v7;
	v63 =	vsel vm0, $0x3F800000, v1;
	[tilespmem:s22+$0xFFFFFFF0] =	vst v15  }
0x72: {  	vm11 =	vgt.s32 v14, v9;
	v62 =	vsel vm2, $0x3F800000, v1;
	[tilespmem:s22+$0xFFFFFFE0] =	vst v63  }
0x73: {  	vm12 =	vgt.s32 v14, v10;
	s23 =	sand.u32 $0x7FF8, s23;
	v15 =	vsel vm11, $0x3F800000, v1;
	[tilespmem:s22+$0x0] =	vst v62  }
0x74: {  	vm14 =	vgt.s32 v14, v12;
	[tilespmem:s23+$0x8180] =	vst v15;
	v15 =	vsel vm12, $0x3F800000, v1  }
0x75: {  	vm13 =	vgt.s32 v14, v13;
	vm15 =	vgt.s32 v14, v11;
	v14 =	vsel vm14, $0x3F800000, v1;
	[tilespmem:s22+$0x30] =	vst v15  }
0x76: {  	v15 =	vsel vm13, $0x3F800000, v1;
	[tilespmem:s22+$0x50] =	vst v14  }
0x77: {  	[tilespmem:s22+$0x60] =	vst v15;
	v15 =	vsel vm15, $0x3F800000, v1  }
0x78: {  	s23 =	simm.s32 $0x40;
	[tilespmem:s22+$0x40] =	vst v15;
	s22 =	simm.s32 $0x0  }
.LBB2_4:
0x79: {  	p0 =	sne.s32 s23, $0x7FC0;
	v14 =	vld [tilespmem:s22+$0xE580];
	_ =	sdelay $0x2  }
.Ltmp3:
0x7a: {  	(pc) =	sbr.rel @p0 .LBB2_4-.Ltmp3, $4  }
0x7b: {  	_ = 	snop  }
0x7c: {  	v14 =	vmax.f32 v14, $-3.000000000e+00  }
0x7d: {  	v14 =	vmin.f32 v14, $3.000000000e+00  }
0x7e: {  	[tilespmem:s22+$0xE580] =	vst v14;
	s22 =	sshra.s32 s23, $0x2;
	s23 =	sadd.s32 $0x40, s23  }
0x7f: {  	v14 =	vld [tilespmem:s22+$0xE580];
	_ =	sdelay $0x4  }
0x80: {  	v14 =	vmax.f32 v14, $-3.000000000e+00  }
.Ltmp4:
0x81: {  	v14 =	vmin.f32 v14, $3.000000000e+00;
	(pc) =	sbr.rel .LBB2_6-.Ltmp4, $4  }
0x82: {  	[tilespmem:s22+$0xE580] =	vst v14;
	s22 =	simm.s32 $0x0  }
0x83: {  	[hbm4b:s9+s22] =	stream.linear.scatter [tilespmem:s15], [sflag:$0x5], $0x6400, $0x38;
	[tilespmem:$0x1CD80] =	vst v63  }
0x84: {  	s24 =	simm.s32 $0xC8;
	s23 =	simm.s32 $0xC8  }
0x85: {  	[hbm4b:s10+s22] =	stream.linear.scatter [tilespmem:s14], [sflag:$0x5], $0x2000, $0x38;
	[tilespmem:$0x1CD80] =	vst v63  }
.LBB2_13:
0x86: {  	[tilespmem:s28+$0xFFFFFFD0] =	vst v1  }
.LBB2_14:
0x87: {  	s22 =	sadd.s32 $0x1, s22  }
0x88: {  	p0 =	sne.s32 s22, $0x40  }
.Ltmp5:
0x89: {  	s0 =	sadd.s32 s5, s26;
	(pc) =	sbr.rel @!p0 .LBB2_15-.Ltmp5, $3  }
0x8a: {  	s0 =	smul.u32 $0xC80, s0;
	_ =	sdelay $0x1  }
0x8b: {  	s24 =	smov.u32 s25;
	s0 =	sadd.s32 s3, s0  }
0x8c: {  	[hbm4b:s0+s4] =	stream.linear.scatter [tilespmem:s17], [sflag:$0x4], $0x6400, $0x38;
	[tilespmem:$0x1CD80] =	vst v63  }
.LBB2_6:
0x8d: {  	s25 =	sshll.u32 s22, $0x1  }
0x8e: {  	s26 =	sadd.s32 $0xFFFFFFFE, s25  }
0x8f: {  	p0 =	sgt.u32 s26, $0x7D  }
0x90: {  	s26 =	simm.s32 @!p0 $0x4  }
0x91: {  	_ =	swait.ge @!p0 [sflag:s26], $0x6400  }
0x92: {  	[sflag:s26] =	ssyncset.done @!p0 $0x0  }
0x93: {  	[sflag:s26] =	ssyncadd.s32 @!p0 $0xFFFF9C00  }
0x94: {  	v14 =	vld @!p0 [tilespmem:s25+$0x8001];
	_ =	sdelay $0x4  }
0x95: {  	(v2sf) =	vpush @!p0 v14, $0x0;
	_ =	sdelay $0xe  }
0x96: {  	s26 =	spop @!p0 (v2sf)  }
0x97: {  	p1 =	slt.s32 @!p0 s26, $0x1  }
0x98: {  	p2 =	por p1, p0  }
0x99: {  	s28 =	sor.u32 @!p0 $0x1, s25;
	s29 =	sshll.u32 @!p2 s22, $0x9  }
0x9a: {  	s28 =	sshll.u32 @!p2 s28, $0x7;
	s30 =	simm.s32 @!p2 $0x16980;
	p3 =	slt.u32 @!p2 s26, $0x41  }
0x9b: {  	s29 =	sand.u32 @!p2 $0x7800, s29;
	s28 =	sand.u32 @!p2 $0x380, s28;
	p4 =	por @!p0 p3, p1  }
0x9c: {  	s28 =	sor.u32 @!p2 s28, s29;
	s29 =	simm.s32 @!p2 $0x40;
	p4 =	por p4, p0  }
0x9d: {  	[tilespmem:s30], [sflag:$0x2] =	stream.indirect.gather @!p2 [hbm4b:s1+s29], $0x80, s28, s29, $0xb8;
	[tilespmem:$0x1CD80] =	vst v63  }
0x9e: {  	s29 =	sadd.s32 @!p4 $0x40, s28;
	p5 =	slt.u32 @!p4 s26, $0x81  }
0x9f: {  	s30 =	simm.s32 @!p4 $0x40;
	s31 =	simm.s32 @!p4 $0x18980;
	p6 =	por @!p2 p5, p3  }
0xa0: {  	[tilespmem:s31], [sflag:$0x2] =	stream.indirect.gather @!p4 [hbm4b:s1+s30], $0x80, s29, s30, $0xb8;
	[tilespmem:$0x1CD80] =	vst v63  }
0xa1: {  	p6 =	por @!p0 p6, p1  }
0xa2: {  	p6 =	por p6, p0  }
0xa3: {  	s29 =	sadd.s32 @!p6 $0x400, s28;
	s30 =	simm.s32 @!p6 $0x28;
	s31 =	simm.s32 @!p6 $0x1A980  }
0xa4: {  	[tilespmem:s31], [sflag:$0x2] =	stream.indirect.gather @!p6 [hbm4b:s1+s30], $0x80, s29, s30, $0xb8;
	[tilespmem:$0x1CD80] =	vst v63  }
0xa5: {  	p6 =	slt.u32 @!p6 s26, $0xA9  }
0xa6: {  	p4 =	por @!p4 p6, p5  }
0xa7: {  	p2 =	por @!p2 p4, p3  }
0xa8: {  	p1 =	por @!p0 p2, p1  }
0xa9: {  	p0 =	por p1, p0  }
0xaa: {  	s26 =	sadd.s32 @!p0 $0x428, s28;
	s28 =	simm.s32 @!p0 $0x20;
	s29 =	simm.s32 @!p0 $0x1BD80  }
0xab: {  	[tilespmem:s29], [sflag:$0x2] =	stream.indirect.gather @!p0 [hbm4b:s1+s28], $0x80, s26, s28, $0xb8;
	[tilespmem:$0x1CD80] =	vst v63  }
0xac: {  	v14 =	vld [tilespmem:s25+$0x8000];
	_ =	sdelay $0x4  }
0xad: {  	(v2sf) =	vpush v14, $0x0;
	_ =	sdelay $0xe  }
0xae: {  	s26 =	smov.u32 s23;
	s23 =	spop (v2sf)  }
0xaf: {  	p0 =	slt.s32 s23, $0x1  }
0xb0: {  	p1 =	slt.u32 @!p0 s23, $0x41  }
0xb1: {  	p3 =	por p1, p0  }
0xb2: {  	p4 =	slt.u32 @!p3 s23, $0x81  }
0xb3: {  	p2 =	por @!p0 p4, p1  }
0xb4: {  	s28 =	simm.s32 @!p0 $0x1;
	p2 =	por p2, p0  }
0xb5: {  	_ =	swait.ge @!p0 [sflag:s28], $0x2000;
	p5 =	slt.u32 @!p2 s23, $0xA9  }
0xb6: {  	[sflag:s28] =	ssyncset.done @!p0 $0x0;
	p6 =	por @!p3 !p5, p4  }
0xb7: {  	[sflag:s28] =	ssyncadd.s32 @!p0 $0xFFFFE000;
	s28 =	simm.s32 @!p3 $0x1;
	p6 =	por @!p0 !p6, p1  }
0xb8: {  	_ =	swait.ge @!p3 [sflag:s28], $0x2000;
	s29 =	simm.s32 @!p2 $0xA8;
	p6 =	por !p6, p0  }
0xb9: {  	[sflag:s28] =	ssyncset.done @!p3 $0x0;
	s29 =	simm.s32 @p6 $0xC8;
	p6 =	por @!p0 !p4, p1  }
0xba: {  	[sflag:s28] =	ssyncadd.s32 @!p3 $0xFFFFE000;
	p6 =	por !p6, p0  }
0xbb: {  	p3 =	por @!p3 p5, p4;
	p4 =	por !p1, p0;
	s29 =	simm.s32 @p6 $0x80  }
0xbc: {  	s29 =	simm.s32 @!p4 $0x40  }
0xbd: {  	p1 =	por @!p0 p3, p1;
	s29 =	simm.s32 @p0 $0x40  }
0xbe: {  	p1 =	por p1, p0;
	p0 =	sgt.s32 s29, s26  }
0xbf: {  	s28 =	simm.s32 @!p2 $0x1;
	s26 =	smov.u32 @p0 s29  }
0xc0: {  	_ =	swait.ge @!p2 [sflag:s28], $0x1400;
	p0 =	sle.s32 s26, s23  }
.Ltmp6:
0xc1: {  	[sflag:s28] =	ssyncset.done @!p2 $0x0;
	(pc) =	sbr.rel @p0 .LBB2_10-.Ltmp6, $4  }
0xc2: {  	[sflag:s28] =	ssyncadd.s32 @!p2 $0xFFFFEC00;
	s28 =	simm.s32 @!p1 $0x1  }
0xc3: {  	_ =	swait.ge @!p1 [sflag:s28], $0x1000  }
0xc4: {  	[sflag:s28] =	ssyncset.done @!p1 $0x0  }
0xc5: {  	[sflag:s28] =	ssyncadd.s32 @!p1 $0xFFFFF000  }
0xc6: {  	s28 =	sshll.u32 s23, $0x9  }
0xc7: {  	s28 =	sshra.s32 s28, $0x2  }
0xc8: {  	s28 =	sadd.s32 $0x105C0, s28  }
0xc9: {  	s26 =	ssub.s32 s26, s23;
	[tilespmem:s28+$0xFFFFFFC0] =	vst v1  }
0xca: {  	p0 =	sne.s32 s26, $0x1;
	[tilespmem:s28+$0x30] =	vst v1  }
.Ltmp7:
0xcb: {  	[tilespmem:s28+$0x20] =	vst v1;
	(pc) =	sbr.rel @!p0 .LBB2_9-.Ltmp7, $4  }
0xcc: {  	[tilespmem:s28+$0x10] =	vst v1  }
0xcd: {  	[tilespmem:s28+$0x0] =	vst v1  }
0xce: {  	[tilespmem:s28+$0xFFFFFFF0] =	vst v1  }
0xcf: {  	s26 =	sadd.s32 $0xFFFFFFFF, s26;
	[tilespmem:s28+$0xFFFFFFE0] =	vst v1  }
.LBB2_8:
0xd0: {  	p0 =	sne.s32 s26, $0x1;
	s26 =	sadd.s32 $0xFFFFFFFF, s26;
	[tilespmem:s28+$0xFFFFFFD0] =	vst v1;
	s28 =	sadd.s32 $0x80, s28  }
0xd1: {  	[tilespmem:s28+$0xFFFFFFC0] =	vst v1  }
0xd2: {  	[tilespmem:s28+$0x30] =	vst v1  }
.Ltmp8:
0xd3: {  	[tilespmem:s28+$0x20] =	vst v1;
	(pc) =	sbr.rel @p0 .LBB2_8-.Ltmp8, $4  }
0xd4: {  	[tilespmem:s28+$0x10] =	vst v1  }
0xd5: {  	[tilespmem:s28+$0x0] =	vst v1  }
0xd6: {  	[tilespmem:s28+$0xFFFFFFF0] =	vst v1  }
0xd7: {  	[tilespmem:s28+$0xFFFFFFE0] =	vst v1  }
.LBB2_9:
0xd8: {  	[tilespmem:s28+$0xFFFFFFD0] =	vst v1  }
.LBB2_10:
0xd9: {  	s26 =	sadd.s32 s5, s25  }
0xda: {  	s26 =	smul.u32 $0xC80, s26;
	_ =	sdelay $0x1  }
0xdb: {  	s26 =	sadd.s32 s3, s26  }
0xdc: {  	[hbm4b:s26+s4] =	stream.linear.scatter [tilespmem:s16], [sflag:$0x3], $0x6400, $0x38;
	[tilespmem:$0x1CD80] =	vst v63  }
0xdd: {  	s26 =	sor.u32 $0x1, s25  }
0xde: {  	p0 =	sgt.u32 s26, $0x7E  }
0xdf: {  	s28 =	simm.s32 @!p0 $0x3  }
0xe0: {  	_ =	swait.ge @!p0 [sflag:s28], $0x6400  }
0xe1: {  	[sflag:s28] =	ssyncset.done @!p0 $0x0  }
0xe2: {  	[sflag:s28] =	ssyncadd.s32 @!p0 $0xFFFF9C00  }
0xe3: {  	v14 =	vld @!p0 [tilespmem:s25+$0x8002];
	_ =	sdelay $0x4  }
0xe4: {  	(v2sf) =	vpush @!p0 v14, $0x0;
	_ =	sdelay $0xe  }
0xe5: {  	s28 =	spop @!p0 (v2sf)  }
0xe6: {  	p1 =	slt.s32 @!p0 s28, $0x1  }
0xe7: {  	s29 =	sadd.s32 @!p0 $0x2, s25;
	p2 =	por p1, p0  }
0xe8: {  	s30 =	sshll.u32 @!p2 s29, $0x8  }
0xe9: {  	s29 =	sshll.u32 @!p2 s29, $0x7;
	s31 =	simm.s32 @!p2 $0x10580;
	p3 =	slt.u32 @!p2 s28, $0x41  }
0xea: {  	s30 =	sand.u32 @!p2 $0xF800, s30;
	s29 =	sand.u32 @!p2 $0x300, s29;
	p4 =	por @!p0 p3, p1  }
0xeb: {  	s29 =	sor.u32 @!p2 s29, s30;
	s30 =	simm.s32 @!p2 $0x40;
	p4 =	por p4, p0  }
0xec: {  	[tilespmem:s31], [sflag:$0x1] =	stream.indirect.gather @!p2 [hbm4b:s1+s30], $0x80, s29, s30, $0xb8;
	[tilespmem:$0x1CD80] =	vst v63  }
0xed: {  	s30 =	sadd.s32 @!p4 $0x40, s29;
	p5 =	slt.u32 @!p4 s28, $0x81  }
0xee: {  	s31 =	simm.s32 @!p4 $0x40;
	s0 =	simm.s32 @!p4 $0x12580;
	p6 =	por @!p2 p5, p3  }
0xef: {  	[tilespmem:s0], [sflag:$0x1] =	stream.indirect.gather @!p4 [hbm4b:s1+s31], $0x80, s30, s31, $0xb8;
	[tilespmem:$0x1CD80] =	vst v63  }
0xf0: {  	p6 =	por @!p0 p6, p1  }
0xf1: {  	p6 =	por p6, p0  }
0xf2: {  	s0 =	sadd.s32 @!p6 $0x400, s29;
	s30 =	simm.s32 @!p6 $0x28;
	s31 =	simm.s32 @!p6 $0x14580  }
0xf3: {  	[tilespmem:s31], [sflag:$0x1] =	stream.indirect.gather @!p6 [hbm4b:s1+s30], $0x80, s0, s30, $0xb8;
	[tilespmem:$0x1CD80] =	vst v63  }
0xf4: {  	p6 =	slt.u32 @!p6 s28, $0xA9  }
0xf5: {  	p4 =	por @!p4 p6, p5  }
0xf6: {  	p2 =	por @!p2 p4, p3  }
0xf7: {  	p1 =	por @!p0 p2, p1  }
0xf8: {  	p0 =	por p1, p0  }
0xf9: {  	s0 =	sadd.s32 @!p0 $0x428, s29;
	s28 =	simm.s32 @!p0 $0x20;
	s29 =	simm.s32 @!p0 $0x15980  }
0xfa: {  	[tilespmem:s29], [sflag:$0x1] =	stream.indirect.gather @!p0 [hbm4b:s1+s28], $0x80, s0, s28, $0xb8;
	[tilespmem:$0x1CD80] =	vst v63  }
0xfb: {  	v14 =	vld [tilespmem:s25+$0x8001];
	_ =	sdelay $0x4  }
0xfc: {  	(v2sf) =	vpush v14, $0x0;
	_ =	sdelay $0xe  }
0xfd: {  	s25 =	spop (v2sf)  }
0xfe: {  	p0 =	slt.s32 s25, $0x1  }
0xff: {  	p1 =	slt.u32 @!p0 s25, $0x41  }
0x100: {  	p3 =	por p1, p0  }
0x101: {  	p4 =	slt.u32 @!p3 s25, $0x81  }
0x102: {  	p2 =	por @!p0 p4, p1  }
0x103: {  	s0 =	simm.s32 @!p0 $0x2;
	p2 =	por p2, p0  }
0x104: {  	_ =	swait.ge @!p0 [sflag:s0], $0x2000;
	p5 =	slt.u32 @!p2 s25, $0xA9  }
0x105: {  	[sflag:s0] =	ssyncset.done @!p0 $0x0;
	p6 =	por @!p3 !p5, p4  }
0x106: {  	[sflag:s0] =	ssyncadd.s32 @!p0 $0xFFFFE000;
	s0 =	simm.s32 @!p3 $0x2;
	p6 =	por @!p0 !p6, p1  }
0x107: {  	_ =	swait.ge @!p3 [sflag:s0], $0x2000;
	s28 =	simm.s32 @!p2 $0xA8;
	p6 =	por !p6, p0  }
0x108: {  	[sflag:s0] =	ssyncset.done @!p3 $0x0;
	s28 =	simm.s32 @p6 $0xC8;
	p6 =	por @!p0 !p4, p1  }
0x109: {  	[sflag:s0] =	ssyncadd.s32 @!p3 $0xFFFFE000;
	p6 =	por !p6, p0  }
0x10a: {  	p3 =	por @!p3 p5, p4;
	p4 =	por !p1, p0;
	s28 =	simm.s32 @p6 $0x80  }
0x10b: {  	s28 =	simm.s32 @!p4 $0x40  }
0x10c: {  	p1 =	por @!p0 p3, p1;
	s28 =	simm.s32 @p0 $0x40  }
0x10d: {  	p1 =	por p1, p0;
	p0 =	sgt.s32 s28, s24  }
0x10e: {  	s0 =	simm.s32 @!p2 $0x2;
	s24 =	smov.u32 @p0 s28  }
0x10f: {  	_ =	swait.ge @!p2 [sflag:s0], $0x1400;
	p0 =	sle.s32 s24, s25  }
.Ltmp9:
0x110: {  	[sflag:s0] =	ssyncset.done @!p2 $0x0;
	(pc) =	sbr.rel @p0 .LBB2_14-.Ltmp9, $4  }
0x111: {  	[sflag:s0] =	ssyncadd.s32 @!p2 $0xFFFFEC00;
	s0 =	simm.s32 @!p1 $0x2  }
0x112: {  	_ =	swait.ge @!p1 [sflag:s0], $0x1000  }
0x113: {  	[sflag:s0] =	ssyncset.done @!p1 $0x0  }
0x114: {  	[sflag:s0] =	ssyncadd.s32 @!p1 $0xFFFFF000  }
0x115: {  	s0 =	sshll.u32 s25, $0x9  }
0x116: {  	s0 =	sshra.s32 s0, $0x2  }
0x117: {  	s28 =	sadd.s32 $0x169C0, s0  }
0x118: {  	s31 =	ssub.s32 s24, s25;
	[tilespmem:s28+$0xFFFFFFC0] =	vst v1  }
0x119: {  	p0 =	sne.s32 s31, $0x1;
	[tilespmem:s28+$0x30] =	vst v1  }
.Ltmp10:
0x11a: {  	[tilespmem:s28+$0x20] =	vst v1;
	(pc) =	sbr.rel @!p0 .LBB2_13-.Ltmp10, $4  }
0x11b: {  	[tilespmem:s28+$0x10] =	vst v1  }
0x11c: {  	[tilespmem:s28+$0x0] =	vst v1  }
0x11d: {  	[tilespmem:s28+$0xFFFFFFF0] =	vst v1  }
0x11e: {  	s24 =	sadd.s32 $0xFFFFFFFF, s31;
	[tilespmem:s28+$0xFFFFFFE0] =	vst v1  }
.LBB2_12:
0x11f: {  	p0 =	sne.s32 s24, $0x1;
	s24 =	sadd.s32 $0xFFFFFFFF, s24;
	[tilespmem:s28+$0xFFFFFFD0] =	vst v1;
	s28 =	sadd.s32 $0x80, s28  }
0x120: {  	[tilespmem:s28+$0xFFFFFFC0] =	vst v1  }
0x121: {  	[tilespmem:s28+$0x30] =	vst v1  }
.Ltmp11:
0x122: {  	[tilespmem:s28+$0x20] =	vst v1;
	(pc) =	sbr.rel @p0 .LBB2_12-.Ltmp11, $4  }
0x123: {  	[tilespmem:s28+$0x10] =	vst v1  }
0x124: {  	[tilespmem:s28+$0x0] =	vst v1  }
0x125: {  	[tilespmem:s28+$0xFFFFFFF0] =	vst v1  }
0x126: {  	[tilespmem:s28+$0xFFFFFFE0] =	vst v1  }
.Ltmp12:
0x127: {  	_ = 	snop;
	(pc) =	sbr.rel .LBB2_13-.Ltmp12, $1  }
0x128: {  	_ =	sdelay $0x3  }
.LBB2_16:
0x129: {  	_ =	sfence.sel $0x180000  }
0x12a: {  	[bflag:$0x0] =	sbarrier.arrive $0xFFFF  }
0x12b: {  	_ =	strace $0x90000047  }
0x12c: {  	[bflag:$0x2] =	sbarrier.arrive $0xFFFF  }
0x12d: {  	p0 =	sne.s32 s2, $0x0;
	s0 =	rddreg [dreg:$0x6]  }
0x12e: {  	s0 =	sadd.s32 @!p0 $0x100000, s0  }
0x12f: {  	[sflag:s0] =	ssyncadd.tile.s32 @!p0 $0x1;
	_ =	shalt  }
.Lfunc_end2:
_tile_overlayer_lowered:
.L_overlay_start_2:
0x130: {  	(tag) =	ssettag $0x2  }
0x131: {  	s0 =	rddreg [dreg:$0x0];
	s2 =	stileid.u32  }
0x132: {  	s1 =	rddreg [dreg:$0x1];
	p0 =	sne.s32 s2, $0x0  }
0x133: {  	s3 =	rddreg [dreg:$0x2];
	[bflag:$0x3] =	sbarrier.arrive $0xFFFF;
	s2 =	simm.s32 @!p0 $0x1C06  }
0x134: {  	[timem:s3], [sflag:s2] =	dma.local @!p0 [hbm:s0], s1  }
0x135: {  	s0 =	simm.s32 @!p0 $0x6  }
0x136: {  	_ =	swait.ge @!p0 [sflag:s0], s1  }
0x137: {  	s1 =	ssub.s32 @!p0 $0x0, s1;
	[sflag:s0] =	ssyncset.done @!p0 $0x0  }
0x138: {  	[sflag:s0] =	ssyncadd.s32 @!p0 s1  }
0x139: {  	[bflag:$0x3] =	sbarrier.arrive $0xFFFF  }
0x13a: {  	_ =	shalt  }

</sc_bundles>
